<compile_context>
chip_gen: v7x
topology: tpu7x:2x2x1
jax: 0.10.2.dev20260603
libtpu: 0.0.44.dev20260713+nightly
codegen_flags: <defaults>
</compile_context>

<pallas_src>
import functools

import jax
import jax.numpy as jnp
import numpy as np
from jax import lax
from jax.experimental import pallas as pl
from jax.experimental.pallas import tpu as pltpu
from jax.experimental.pallas import tpu_sc as plsc

_NUM_LAYERS = 8
_DEPTH = 10
_TREE_DIM = 4
_INPUT_DIM = 256
_BATCH = 16384
_LEAVES = 2 ** _DEPTH
_SEL = _NUM_LAYERS * _DEPTH
_PROWS = _NUM_LAYERS * _LEAVES

_BT = 4096

_MT_NP = np.zeros((_NUM_LAYERS, _SEL), np.float32)
for _l in range(_NUM_LAYERS):
    for _d in range(_DEPTH):
        _MT_NP[_l, _l * _DEPTH + _d] = float(2 ** (_DEPTH - 1 - _d))


def _tc_body(x_ref, w_ref, b_ref, m_ref, leaves_ref, fcw_ref, fcb_ref,
             gidx_ref, p_ref):
    logits_t = jax.lax.dot_general(
        w_ref[...], x_ref[...].astype(jnp.bfloat16), (((1,), (1,)), ((), ())),
        preferred_element_type=jnp.float32) + b_ref[...]
    bits_t = (logits_t > 0.0).astype(jnp.float32)
    idxf_t = jnp.dot(m_ref[...], bits_t, preferred_element_type=jnp.float32)
    offs = lax.broadcasted_iota(jnp.int32, (_NUM_LAYERS, 1), 0) * _LEAVES
    gidx_ref[...] = idxf_t.astype(jnp.int32) + offs

    @pl.when(pl.program_id(0) == 0)
    def _():
        for l in range(_NUM_LAYERS):
            tbl_t = jax.lax.dot_general(
                fcw_ref[l * _TREE_DIM:(l + 1) * _TREE_DIM, :], leaves_ref[l],
                (((0,), (1,)), ((), ())),
                preferred_element_type=jnp.float32)
            p_ref[:, l * _LEAVES:(l + 1) * _LEAVES] = (
                tbl_t + fcb_ref[...] * (1.0 / _NUM_LAYERS))


def _tc_stage(x, w, b, m, leaves, fcw, fcb):
    x, w, b, m, leaves, fcw, fcb = (
        pltpu.with_memory_space_constraint(a, pltpu.MemorySpace.HBM)
        for a in (x, w, b, m, leaves, fcw, fcb))
    return pl.pallas_call(
        _tc_body,
        grid=(_BATCH // _BT,),
        in_specs=[
            pl.BlockSpec((_BT, _INPUT_DIM), lambda i: (i, 0)),
            pl.BlockSpec((_SEL, _INPUT_DIM), lambda i: (0, 0)),
            pl.BlockSpec((_SEL, 1), lambda i: (0, 0)),
            pl.BlockSpec((_NUM_LAYERS, _SEL), lambda i: (0, 0)),
            pl.BlockSpec((_NUM_LAYERS, _LEAVES, _TREE_DIM), lambda i: (0, 0, 0)),
            pl.BlockSpec((_NUM_LAYERS * _TREE_DIM, 2), lambda i: (0, 0)),
            pl.BlockSpec((2, 1), lambda i: (0, 0)),
        ],
        out_specs=[
            pl.BlockSpec((_NUM_LAYERS, _BT), lambda i: (0, i)),
            pl.BlockSpec((2, _PROWS), lambda i: (0, 0)),
        ],
        out_shape=[
            jax.ShapeDtypeStruct((_NUM_LAYERS, _BATCH), jnp.int32),
            jax.ShapeDtypeStruct((2, _PROWS), jnp.float32),
        ],
        compiler_params=pltpu.CompilerParams(
            dimension_semantics=("arbitrary",)),
    )(x, w, b, m, leaves, fcw, fcb)


_NC = 2
_NS = 16
_NW = _NC * _NS
_BPW = _BATCH // _NW
_GROUPS = _BPW // 16


def _sc_body(gidx_hbm, p_hbm, out0_hbm, out1_hbm, idx_v, p_v, o0_v, o1_v, sem):
    wid = lax.axis_index("s") * _NC + lax.axis_index("c")
    base = wid * _BPW
    descs = []
    for o in range(2):
        descs.append(pltpu.async_copy(
            p_hbm.at[o], p_v.at[pl.ds(o * _PROWS, _PROWS)], sem))
    for l in range(_NUM_LAYERS):
        descs.append(pltpu.async_copy(
            gidx_hbm.at[l, pl.ds(base, _BPW)],
            idx_v.at[pl.ds(l * _BPW, _BPW)], sem))
    for d in descs:
        d.wait()

    def group(g, carry):
        gb = g * 16
        acc0 = jnp.zeros((16,), jnp.float32)
        acc1 = jnp.zeros((16,), jnp.float32)
        for l in range(_NUM_LAYERS):
            iv = idx_v[pl.ds(l * _BPW + gb, 16)]
            acc0 = acc0 + plsc.load_gather(p_v, [iv])
            acc1 = acc1 + plsc.load_gather(p_v, [iv + _PROWS])
        o0_v[pl.ds(gb, 16)] = acc0
        o1_v[pl.ds(gb, 16)] = acc1
        return carry

    lax.fori_loop(0, _GROUPS, group, 0)
    d0 = pltpu.async_copy(o0_v, out0_hbm.at[pl.ds(base, _BPW)], sem)
    d1 = pltpu.async_copy(o1_v, out1_hbm.at[pl.ds(base, _BPW)], sem)
    d0.wait()
    d1.wait()


@functools.cache
def _sc_stage():
    return pl.kernel(
        _sc_body,
        out_type=(jax.ShapeDtypeStruct((_BATCH,), jnp.float32),
                  jax.ShapeDtypeStruct((_BATCH,), jnp.float32)),
        mesh=plsc.VectorSubcoreMesh(core_axis_name="c", subcore_axis_name="s",
                                    num_cores=_NC, num_subcores=_NS),
        compiler_params=pltpu.CompilerParams(needs_layout_passes=False),
        scratch_types=[
            pltpu.VMEM((_BPW * _NUM_LAYERS,), jnp.int32),
            pltpu.VMEM((_PROWS * 2,), jnp.float32),
            pltpu.VMEM((_BPW,), jnp.float32),
            pltpu.VMEM((_BPW,), jnp.float32),
            pltpu.SemaphoreType.DMA,
        ],
    )


def kernel(x, sel_w, sel_b, leaves, fc_w, fc_b):
    w = sel_w.reshape(_SEL, _INPUT_DIM).astype(jnp.bfloat16)
    b = sel_b.reshape(_SEL, 1)
    fcb = fc_b.reshape(2, 1)
    m = jnp.asarray(_MT_NP)
    gidx_t, p_t = _tc_stage(x, w, b, m, leaves, fc_w, fcb)
    out0, out1 = _sc_stage()(gidx_t, p_t)
    return jnp.stack([out0, out1], axis=1)

# --- scband reference (transcript-rebuilt; emitter-appended) ---
"""Pipeline reference for scband-node-18004502905504 (READ-ONLY COPY).

The authoritative reference and input builder live on the scoring server;
editing this copy changes nothing except your own understanding.
"""

import jax, jax.numpy as jnp
import numpy as np

NUM_LAYERS = 8
DEPTH = 10
TREE_DIM = 4
INPUT_DIM = 256
BATCH = 16384


def setup_inputs(seed: int = 0) -> dict:
    key = jax.random.key(seed)
    ks = jax.random.split(key, 6)
    x = jax.random.normal(ks[0], (BATCH, INPUT_DIM), dtype=jnp.float32)
    sel_w = jax.random.normal(ks[1], (NUM_LAYERS, DEPTH, INPUT_DIM), dtype=jnp.float32) * (1.0 / np.sqrt(INPUT_DIM))
    sel_b = jax.random.normal(ks[2], (NUM_LAYERS, DEPTH), dtype=jnp.float32) * 0.01
    leaves = jax.random.normal(ks[3], (NUM_LAYERS, 2 ** DEPTH, TREE_DIM), dtype=jnp.float32)
    fc_w = jax.random.normal(ks[4], (NUM_LAYERS * TREE_DIM, 2), dtype=jnp.float32) * (1.0 / np.sqrt(NUM_LAYERS * TREE_DIM))
    fc_b = jnp.zeros((2,), dtype=jnp.float32)
    return {"x": x, "sel_w": sel_w, "sel_b": sel_b, "leaves": leaves, "fc_w": fc_w, "fc_b": fc_b}


def reference(x, sel_w, sel_b, leaves, fc_w, fc_b):
    # NODE: ensemble of oblivious decision trees.
    # Each tree: depth linear selectors -> sigmoid -> hard binary decision,
    # accumulate leaf index, then embedding-style gather from leaf_values.
    outs = []
    for l in range(NUM_LAYERS):
        idx = jnp.zeros((x.shape[0],), dtype=jnp.int32)
        for d in range(DEPTH):
            dec = jax.nn.sigmoid(x @ sel_w[l, d] + sel_b[l, d])
            binary = (dec > 0.5).astype(jnp.int32)
            idx = idx * 2 + binary
        outs.append(jnp.take(leaves[l], idx, axis=0))  # gather [B, tree_dim]
    concatenated = jnp.concatenate(outs, axis=1)  # [B, num_layers * tree_dim]
    return concatenated @ fc_w + fc_b

if __name__ == "__main__":
    import jax
    _d = setup_inputs()
    print(jax.jit(kernel)(*tuple(_d.values())))

</pallas_src>

<mosaic_0001>
#map = affine_map<(d0, d1) -> (0, 0)>
#map1 = affine_map<(d0, d1) -> (0)>
module attributes {stable_mosaic.version = 14 : i64} {
  func.func @_sc_body(%arg0: i32, %arg1: i32, %arg2: memref<8x16384xi32, #tpu.memory_space<hbm>>, %arg3: memref<2x8192xf32, #tpu.memory_space<hbm>>, %arg4: memref<16384xf32, #tpu.memory_space<hbm>>, %arg5: memref<16384xf32, #tpu.memory_space<hbm>>, %arg6: memref<4096xi32, #tpu.memory_space<vmem>>, %arg7: memref<16384xf32, #tpu.memory_space<vmem>>, %arg8: memref<512xf32, #tpu.memory_space<vmem>>, %arg9: memref<512xf32, #tpu.memory_space<vmem>>, %arg10: memref<!tpu.dma_semaphore, #tpu.memory_space<semaphore_mem>>) attributes {dimension_semantics = [#tpu.dimension_semantics<core_parallel>, #tpu.dimension_semantics<subcore_parallel>], iteration_bounds = array<i64: 2, 16>, scalar_prefetch = 0 : i64, scratch_operands = 5 : i64, tpu.core_type = #tpu.core_type<sc_vector_subcore>, window_params = [{transform_indices = #map}, {transform_indices = #map}, {transform_indices = #map1}, {transform_indices = #map1}]} {
    %mul3A = arith.constant 2 : i32
    %mul3A_0 = arith.muli %arg1, %mul3A : i32
    %add3A = arith.addi %mul3A_0, %arg0 : i32
    %mul3A_1 = arith.constant 512 : i32
    %mul3A_2 = arith.muli %add3A, %mul3A_1 : i32
    %dma_start3A = arith.constant 0 : i32
    %dma_start3A_3 = arith.constant 0 : i32
    %dma_start3A_4 = tpu.memref_slice %arg7[%dma_start3A_3] : memref<16384xf32, #tpu.memory_space<vmem>> -> memref<8192xf32, #tpu.memory_space<vmem>>
    %dma_start3A_5 = arith.constant 0 : i32
    %dma_start3A_6 = tpu.memref_slice %arg3[%dma_start3A, %dma_start3A_5] : memref<2x8192xf32, #tpu.memory_space<hbm>> -> memref<1x8192xf32, #tpu.memory_space<hbm>>
    %dma_start3A_7 = tpu.memref_squeeze %dma_start3A_6 : memref<1x8192xf32, #tpu.memory_space<hbm>> -> memref<8192xf32, #tpu.memory_space<hbm>>
    %dma_start3A_8 = arith.constant 0 : i32
    %dma_start3A_9 = tpu.memref_slice %arg7[%dma_start3A_8] : memref<16384xf32, #tpu.memory_space<vmem>> -> memref<8192xf32, #tpu.memory_space<vmem>>
    %dma_start3A_10 = arith.constant 0 : i32
    %dma_start3A_11 = tpu.memref_slice %arg3[%dma_start3A, %dma_start3A_10] : memref<2x8192xf32, #tpu.memory_space<hbm>> -> memref<1x8192xf32, #tpu.memory_space<hbm>>
    %dma_start3A_12 = tpu.memref_squeeze %dma_start3A_11 : memref<1x8192xf32, #tpu.memory_space<hbm>> -> memref<8192xf32, #tpu.memory_space<hbm>>
    tpu.enqueue_dma source(%dma_start3A_12 : memref<8192xf32, #tpu.memory_space<hbm>>) target(%dma_start3A_9 : memref<8192xf32, #tpu.memory_space<vmem>>) target_semaphore(%arg10 : memref<!tpu.dma_semaphore, #tpu.memory_space<semaphore_mem>>)
    %dma_start3A_13 = arith.constant 1 : i32
    %dma_start3A_14 = arith.constant 8192 : i32
    %dma_start3A_15 = tpu.memref_slice %arg7[%dma_start3A_14] : memref<16384xf32, #tpu.memory_space<vmem>> -> memref<8192xf32, #tpu.memory_space<vmem>>
    %dma_start3A_16 = arith.constant 0 : i32
    %dma_start3A_17 = tpu.memref_slice %arg3[%dma_start3A_13, %dma_start3A_16] : memref<2x8192xf32, #tpu.memory_space<hbm>> -> memref<1x8192xf32, #tpu.memory_space<hbm>>
    %dma_start3A_18 = tpu.memref_squeeze %dma_start3A_17 : memref<1x8192xf32, #tpu.memory_space<hbm>> -> memref<8192xf32, #tpu.memory_space<hbm>>
    %dma_start3A_19 = arith.constant 8192 : i32
    %dma_start3A_20 = tpu.memref_slice %arg7[%dma_start3A_19] : memref<16384xf32, #tpu.memory_space<vmem>> -> memref<8192xf32, #tpu.memory_space<vmem>>
    %dma_start3A_21 = arith.constant 0 : i32
    %dma_start3A_22 = tpu.memref_slice %arg3[%dma_start3A_13, %dma_start3A_21] : memref<2x8192xf32, #tpu.memory_space<hbm>> -> memref<1x8192xf32, #tpu.memory_space<hbm>>
    %dma_start3A_23 = tpu.memref_squeeze %dma_start3A_22 : memref<1x8192xf32, #tpu.memory_space<hbm>> -> memref<8192xf32, #tpu.memory_space<hbm>>
    tpu.enqueue_dma source(%dma_start3A_23 : memref<8192xf32, #tpu.memory_space<hbm>>) target(%dma_start3A_20 : memref<8192xf32, #tpu.memory_space<vmem>>) target_semaphore(%arg10 : memref<!tpu.dma_semaphore, #tpu.memory_space<semaphore_mem>>)
    %dma_start3A_24 = arith.constant 0 : i32
    %dma_start3A_25 = arith.constant 0 : i32
    %dma_start3A_26 = tpu.memref_slice %arg6[%dma_start3A_25] : memref<4096xi32, #tpu.memory_space<vmem>> -> memref<512xi32, #tpu.memory_space<vmem>>
    %dma_start3A_27 = tpu.memref_slice %arg2[%dma_start3A_24, %mul3A_2] : memref<8x16384xi32, #tpu.memory_space<hbm>> -> memref<1x512xi32, #tpu.memory_space<hbm>>
    %dma_start3A_28 = tpu.memref_squeeze %dma_start3A_27 : memref<1x512xi32, #tpu.memory_space<hbm>> -> memref<512xi32, #tpu.memory_space<hbm>>
    %dma_start3A_29 = arith.constant 0 : i32
    %dma_start3A_30 = tpu.memref_slice %arg6[%dma_start3A_29] : memref<4096xi32, #tpu.memory_space<vmem>> -> memref<512xi32, #tpu.memory_space<vmem>>
    %dma_start3A_31 = tpu.memref_slice %arg2[%dma_start3A_24, %mul3A_2] : memref<8x16384xi32, #tpu.memory_space<hbm>> -> memref<1x512xi32, #tpu.memory_space<hbm>>
    %dma_start3A_32 = tpu.memref_squeeze %dma_start3A_31 : memref<1x512xi32, #tpu.memory_space<hbm>> -> memref<512xi32, #tpu.memory_space<hbm>>
    tpu.enqueue_dma source(%dma_start3A_32 : memref<512xi32, #tpu.memory_space<hbm>>) target(%dma_start3A_30 : memref<512xi32, #tpu.memory_space<vmem>>) target_semaphore(%arg10 : memref<!tpu.dma_semaphore, #tpu.memory_space<semaphore_mem>>)
    %dma_start3A_33 = arith.constant 1 : i32
    %dma_start3A_34 = arith.constant 512 : i32
    %dma_start3A_35 = tpu.memref_slice %arg6[%dma_start3A_34] : memref<4096xi32, #tpu.memory_space<vmem>> -> memref<512xi32, #tpu.memory_space<vmem>>
    %dma_start3A_36 = tpu.memref_slice %arg2[%dma_start3A_33, %mul3A_2] : memref<8x16384xi32, #tpu.memory_space<hbm>> -> memref<1x512xi32, #tpu.memory_space<hbm>>
    %dma_start3A_37 = tpu.memref_squeeze %dma_start3A_36 : memref<1x512xi32, #tpu.memory_space<hbm>> -> memref<512xi32, #tpu.memory_space<hbm>>
    %dma_start3A_38 = arith.constant 512 : i32
    %dma_start3A_39 = tpu.memref_slice %arg6[%dma_start3A_38] : memref<4096xi32, #tpu.memory_space<vmem>> -> memref<512xi32, #tpu.memory_space<vmem>>
    %dma_start3A_40 = tpu.memref_slice %arg2[%dma_start3A_33, %mul3A_2] : memref<8x16384xi32, #tpu.memory_space<hbm>> -> memref<1x512xi32, #tpu.memory_space<hbm>>
    %dma_start3A_41 = tpu.memref_squeeze %dma_start3A_40 : memref<1x512xi32, #tpu.memory_space<hbm>> -> memref<512xi32, #tpu.memory_space<hbm>>
    tpu.enqueue_dma source(%dma_start3A_41 : memref<512xi32, #tpu.memory_space<hbm>>) target(%dma_start3A_39 : memref<512xi32, #tpu.memory_space<vmem>>) target_semaphore(%arg10 : memref<!tpu.dma_semaphore, #tpu.memory_space<semaphore_mem>>)
    %dma_start3A_42 = arith.constant 2 : i32
    %dma_start3A_43 = arith.constant 1024 : i32
    %dma_start3A_44 = tpu.memref_slice %arg6[%dma_start3A_43] : memref<4096xi32, #tpu.memory_space<vmem>> -> memref<512xi32, #tpu.memory_space<vmem>>
    %dma_start3A_45 = tpu.memref_slice %arg2[%dma_start3A_42, %mul3A_2] : memref<8x16384xi32, #tpu.memory_space<hbm>> -> memref<1x512xi32, #tpu.memory_space<hbm>>
    %dma_start3A_46 = tpu.memref_squeeze %dma_start3A_45 : memref<1x512xi32, #tpu.memory_space<hbm>> -> memref<512xi32, #tpu.memory_space<hbm>>
    %dma_start3A_47 = arith.constant 1024 : i32
    %dma_start3A_48 = tpu.memref_slice %arg6[%dma_start3A_47] : memref<4096xi32, #tpu.memory_space<vmem>> -> memref<512xi32, #tpu.memory_space<vmem>>
    %dma_start3A_49 = tpu.memref_slice %arg2[%dma_start3A_42, %mul3A_2] : memref<8x16384xi32, #tpu.memory_space<hbm>> -> memref<1x512xi32, #tpu.memory_space<hbm>>
    %dma_start3A_50 = tpu.memref_squeeze %dma_start3A_49 : memref<1x512xi32, #tpu.memory_space<hbm>> -> memref<512xi32, #tpu.memory_space<hbm>>
    tpu.enqueue_dma source(%dma_start3A_50 : memref<512xi32, #tpu.memory_space<hbm>>) target(%dma_start3A_48 : memref<512xi32, #tpu.memory_space<vmem>>) target_semaphore(%arg10 : memref<!tpu.dma_semaphore, #tpu.memory_space<semaphore_mem>>)
    %dma_start3A_51 = arith.constant 3 : i32
    %dma_start3A_52 = arith.constant 1536 : i32
    %dma_start3A_53 = tpu.memref_slice %arg6[%dma_start3A_52] : memref<4096xi32, #tpu.memory_space<vmem>> -> memref<512xi32, #tpu.memory_space<vmem>>
    %dma_start3A_54 = tpu.memref_slice %arg2[%dma_start3A_51, %mul3A_2] : memref<8x16384xi32, #tpu.memory_space<hbm>> -> memref<1x512xi32, #tpu.memory_space<hbm>>
    %dma_start3A_55 = tpu.memref_squeeze %dma_start3A_54 : memref<1x512xi32, #tpu.memory_space<hbm>> -> memref<512xi32, #tpu.memory_space<hbm>>
    %dma_start3A_56 = arith.constant 1536 : i32
    %dma_start3A_57 = tpu.memref_slice %arg6[%dma_start3A_56] : memref<4096xi32, #tpu.memory_space<vmem>> -> memref<512xi32, #tpu.memory_space<vmem>>
    %dma_start3A_58 = tpu.memref_slice %arg2[%dma_start3A_51, %mul3A_2] : memref<8x16384xi32, #tpu.memory_space<hbm>> -> memref<1x512xi32, #tpu.memory_space<hbm>>
    %dma_start3A_59 = tpu.memref_squeeze %dma_start3A_58 : memref<1x512xi32, #tpu.memory_space<hbm>> -> memref<512xi32, #tpu.memory_space<hbm>>
    tpu.enqueue_dma source(%dma_start3A_59 : memref<512xi32, #tpu.memory_space<hbm>>) target(%dma_start3A_57 : memref<512xi32, #tpu.memory_space<vmem>>) target_semaphore(%arg10 : memref<!tpu.dma_semaphore, #tpu.memory_space<semaphore_mem>>)
    %dma_start3A_60 = arith.constant 4 : i32
    %dma_start3A_61 = arith.constant 2048 : i32
    %dma_start3A_62 = tpu.memref_slice %arg6[%dma_start3A_61] : memref<4096xi32, #tpu.memory_space<vmem>> -> memref<512xi32, #tpu.memory_space<vmem>>
    %dma_start3A_63 = tpu.memref_slice %arg2[%dma_start3A_60, %mul3A_2] : memref<8x16384xi32, #tpu.memory_space<hbm>> -> memref<1x512xi32, #tpu.memory_space<hbm>>
    %dma_start3A_64 = tpu.memref_squeeze %dma_start3A_63 : memref<1x512xi32, #tpu.memory_space<hbm>> -> memref<512xi32, #tpu.memory_space<hbm>>
    %dma_start3A_65 = arith.constant 2048 : i32
    %dma_start3A_66 = tpu.memref_slice %arg6[%dma_start3A_65] : memref<4096xi32, #tpu.memory_space<vmem>> -> memref<512xi32, #tpu.memory_space<vmem>>
    %dma_start3A_67 = tpu.memref_slice %arg2[%dma_start3A_60, %mul3A_2] : memref<8x16384xi32, #tpu.memory_space<hbm>> -> memref<1x512xi32, #tpu.memory_space<hbm>>
    %dma_start3A_68 = tpu.memref_squeeze %dma_start3A_67 : memref<1x512xi32, #tpu.memory_space<hbm>> -> memref<512xi32, #tpu.memory_space<hbm>>
    tpu.enqueue_dma source(%dma_start3A_68 : memref<512xi32, #tpu.memory_space<hbm>>) target(%dma_start3A_66 : memref<512xi32, #tpu.memory_space<vmem>>) target_semaphore(%arg10 : memref<!tpu.dma_semaphore, #tpu.memory_space<semaphore_mem>>)
    %dma_start3A_69 = arith.constant 5 : i32
    %dma_start3A_70 = arith.constant 2560 : i32
    %dma_start3A_71 = tpu.memref_slice %arg6[%dma_start3A_70] : memref<4096xi32, #tpu.memory_space<vmem>> -> memref<512xi32, #tpu.memory_space<vmem>>
    %dma_start3A_72 = tpu.memref_slice %arg2[%dma_start3A_69, %mul3A_2] : memref<8x16384xi32, #tpu.memory_space<hbm>> -> memref<1x512xi32, #tpu.memory_space<hbm>>
    %dma_start3A_73 = tpu.memref_squeeze %dma_start3A_72 : memref<1x512xi32, #tpu.memory_space<hbm>> -> memref<512xi32, #tpu.memory_space<hbm>>
    %dma_start3A_74 = arith.constant 2560 : i32
    %dma_start3A_75 = tpu.memref_slice %arg6[%dma_start3A_74] : memref<4096xi32, #tpu.memory_space<vmem>> -> memref<512xi32, #tpu.memory_space<vmem>>
    %dma_start3A_76 = tpu.memref_slice %arg2[%dma_start3A_69, %mul3A_2] : memref<8x16384xi32, #tpu.memory_space<hbm>> -> memref<1x512xi32, #tpu.memory_space<hbm>>
    %dma_start3A_77 = tpu.memref_squeeze %dma_start3A_76 : memref<1x512xi32, #tpu.memory_space<hbm>> -> memref<512xi32, #tpu.memory_space<hbm>>
    tpu.enqueue_dma source(%dma_start3A_77 : memref<512xi32, #tpu.memory_space<hbm>>) target(%dma_start3A_75 : memref<512xi32, #tpu.memory_space<vmem>>) target_semaphore(%arg10 : memref<!tpu.dma_semaphore, #tpu.memory_space<semaphore_mem>>)
    %dma_start3A_78 = arith.constant 6 : i32
    %dma_start3A_79 = arith.constant 3072 : i32
    %dma_start3A_80 = tpu.memref_slice %arg6[%dma_start3A_79] : memref<4096xi32, #tpu.memory_space<vmem>> -> memref<512xi32, #tpu.memory_space<vmem>>
    %dma_start3A_81 = tpu.memref_slice %arg2[%dma_start3A_78, %mul3A_2] : memref<8x16384xi32, #tpu.memory_space<hbm>> -> memref<1x512xi32, #tpu.memory_space<hbm>>
    %dma_start3A_82 = tpu.memref_squeeze %dma_start3A_81 : memref<1x512xi32, #tpu.memory_space<hbm>> -> memref<512xi32, #tpu.memory_space<hbm>>
    %dma_start3A_83 = arith.constant 3072 : i32
    %dma_start3A_84 = tpu.memref_slice %arg6[%dma_start3A_83] : memref<4096xi32, #tpu.memory_space<vmem>> -> memref<512xi32, #tpu.memory_space<vmem>>
    %dma_start3A_85 = tpu.memref_slice %arg2[%dma_start3A_78, %mul3A_2] : memref<8x16384xi32, #tpu.memory_space<hbm>> -> memref<1x512xi32, #tpu.memory_space<hbm>>
    %dma_start3A_86 = tpu.memref_squeeze %dma_start3A_85 : memref<1x512xi32, #tpu.memory_space<hbm>> -> memref<512xi32, #tpu.memory_space<hbm>>
    tpu.enqueue_dma source(%dma_start3A_86 : memref<512xi32, #tpu.memory_space<hbm>>) target(%dma_start3A_84 : memref<512xi32, #tpu.memory_space<vmem>>) target_semaphore(%arg10 : memref<!tpu.dma_semaphore, #tpu.memory_space<semaphore_mem>>)
    %dma_start3A_87 = arith.constant 7 : i32
    %dma_start3A_88 = arith.constant 3584 : i32
    %dma_start3A_89 = tpu.memref_slice %arg6[%dma_start3A_88] : memref<4096xi32, #tpu.memory_space<vmem>> -> memref<512xi32, #tpu.memory_space<vmem>>
    %dma_start3A_90 = tpu.memref_slice %arg2[%dma_start3A_87, %mul3A_2] : memref<8x16384xi32, #tpu.memory_space<hbm>> -> memref<1x512xi32, #tpu.memory_space<hbm>>
    %dma_start3A_91 = tpu.memref_squeeze %dma_start3A_90 : memref<1x512xi32, #tpu.memory_space<hbm>> -> memref<512xi32, #tpu.memory_space<hbm>>
    %dma_start3A_92 = arith.constant 3584 : i32
    %dma_start3A_93 = tpu.memref_slice %arg6[%dma_start3A_92] : memref<4096xi32, #tpu.memory_space<vmem>> -> memref<512xi32, #tpu.memory_space<vmem>>
    %dma_start3A_94 = tpu.memref_slice %arg2[%dma_start3A_87, %mul3A_2] : memref<8x16384xi32, #tpu.memory_space<hbm>> -> memref<1x512xi32, #tpu.memory_space<hbm>>
    %dma_start3A_95 = tpu.memref_squeeze %dma_start3A_94 : memref<1x512xi32, #tpu.memory_space<hbm>> -> memref<512xi32, #tpu.memory_space<hbm>>
    tpu.enqueue_dma source(%dma_start3A_95 : memref<512xi32, #tpu.memory_space<hbm>>) target(%dma_start3A_93 : memref<512xi32, #tpu.memory_space<vmem>>) target_semaphore(%arg10 : memref<!tpu.dma_semaphore, #tpu.memory_space<semaphore_mem>>)
    %dma_wait3A = arith.constant 0 : i32
    %dma_wait3A_96 = arith.constant 0 : i32
    %dma_wait3A_97 = tpu.memref_slice %arg7[%dma_wait3A_96] : memref<16384xf32, #tpu.memory_space<vmem>> -> memref<8192xf32, #tpu.memory_space<vmem>>
    %dma_wait3A_98 = arith.constant 0 : i32
    %dma_wait3A_99 = tpu.memref_slice %arg3[%dma_wait3A, %dma_wait3A_98] : memref<2x8192xf32, #tpu.memory_space<hbm>> -> memref<1x8192xf32, #tpu.memory_space<hbm>>
    %dma_wait3A_100 = tpu.memref_squeeze %dma_wait3A_99 : memref<1x8192xf32, #tpu.memory_space<hbm>> -> memref<8192xf32, #tpu.memory_space<hbm>>
    %dma_wait3A_101 = arith.constant 0 : i32
    %dma_wait3A_102 = tpu.memref_slice %arg7[%dma_wait3A_101] : memref<16384xf32, #tpu.memory_space<vmem>> -> memref<8192xf32, #tpu.memory_space<vmem>>
    %dma_wait3A_103 = arith.constant 0 : i32
    %dma_wait3A_104 = tpu.memref_slice %arg3[%dma_wait3A, %dma_wait3A_103] : memref<2x8192xf32, #tpu.memory_space<hbm>> -> memref<1x8192xf32, #tpu.memory_space<hbm>>
    %dma_wait3A_105 = tpu.memref_squeeze %dma_wait3A_104 : memref<1x8192xf32, #tpu.memory_space<hbm>> -> memref<8192xf32, #tpu.memory_space<hbm>>
    tpu.wait_dma2 semaphore(%arg10 : memref<!tpu.dma_semaphore, #tpu.memory_space<semaphore_mem>>) src(%dma_wait3A_105 : memref<8192xf32, #tpu.memory_space<hbm>>) dst(%dma_wait3A_102 : memref<8192xf32, #tpu.memory_space<vmem>>)
    %dma_wait3A_106 = arith.constant 1 : i32
    %dma_wait3A_107 = arith.constant 8192 : i32
    %dma_wait3A_108 = tpu.memref_slice %arg7[%dma_wait3A_107] : memref<16384xf32, #tpu.memory_space<vmem>> -> memref<8192xf32, #tpu.memory_space<vmem>>
    %dma_wait3A_109 = arith.constant 0 : i32
    %dma_wait3A_110 = tpu.memref_slice %arg3[%dma_wait3A_106, %dma_wait3A_109] : memref<2x8192xf32, #tpu.memory_space<hbm>> -> memref<1x8192xf32, #tpu.memory_space<hbm>>
    %dma_wait3A_111 = tpu.memref_squeeze %dma_wait3A_110 : memref<1x8192xf32, #tpu.memory_space<hbm>> -> memref<8192xf32, #tpu.memory_space<hbm>>
    %dma_wait3A_112 = arith.constant 8192 : i32
    %dma_wait3A_113 = tpu.memref_slice %arg7[%dma_wait3A_112] : memref<16384xf32, #tpu.memory_space<vmem>> -> memref<8192xf32, #tpu.memory_space<vmem>>
    %dma_wait3A_114 = arith.constant 0 : i32
    %dma_wait3A_115 = tpu.memref_slice %arg3[%dma_wait3A_106, %dma_wait3A_114] : memref<2x8192xf32, #tpu.memory_space<hbm>> -> memref<1x8192xf32, #tpu.memory_space<hbm>>
    %dma_wait3A_116 = tpu.memref_squeeze %dma_wait3A_115 : memref<1x8192xf32, #tpu.memory_space<hbm>> -> memref<8192xf32, #tpu.memory_space<hbm>>
    tpu.wait_dma2 semaphore(%arg10 : memref<!tpu.dma_semaphore, #tpu.memory_space<semaphore_mem>>) src(%dma_wait3A_116 : memref<8192xf32, #tpu.memory_space<hbm>>) dst(%dma_wait3A_113 : memref<8192xf32, #tpu.memory_space<vmem>>)
    %dma_wait3A_117 = arith.constant 0 : i32
    %dma_wait3A_118 = arith.constant 0 : i32
    %dma_wait3A_119 = tpu.memref_slice %arg6[%dma_wait3A_118] : memref<4096xi32, #tpu.memory_space<vmem>> -> memref<512xi32, #tpu.memory_space<vmem>>
    %dma_wait3A_120 = tpu.memref_slice %arg2[%dma_wait3A_117, %mul3A_2] : memref<8x16384xi32, #tpu.memory_space<hbm>> -> memref<1x512xi32, #tpu.memory_space<hbm>>
    %dma_wait3A_121 = tpu.memref_squeeze %dma_wait3A_120 : memref<1x512xi32, #tpu.memory_space<hbm>> -> memref<512xi32, #tpu.memory_space<hbm>>
    %dma_wait3A_122 = arith.constant 0 : i32
    %dma_wait3A_123 = tpu.memref_slice %arg6[%dma_wait3A_122] : memref<4096xi32, #tpu.memory_space<vmem>> -> memref<512xi32, #tpu.memory_space<vmem>>
    %dma_wait3A_124 = tpu.memref_slice %arg2[%dma_wait3A_117, %mul3A_2] : memref<8x16384xi32, #tpu.memory_space<hbm>> -> memref<1x512xi32, #tpu.memory_space<hbm>>
    %dma_wait3A_125 = tpu.memref_squeeze %dma_wait3A_124 : memref<1x512xi32, #tpu.memory_space<hbm>> -> memref<512xi32, #tpu.memory_space<hbm>>
    tpu.wait_dma2 semaphore(%arg10 : memref<!tpu.dma_semaphore, #tpu.memory_space<semaphore_mem>>) src(%dma_wait3A_125 : memref<512xi32, #tpu.memory_space<hbm>>) dst(%dma_wait3A_123 : memref<512xi32, #tpu.memory_space<vmem>>)
    %dma_wait3A_126 = arith.constant 1 : i32
    %dma_wait3A_127 = arith.constant 512 : i32
    %dma_wait3A_128 = tpu.memref_slice %arg6[%dma_wait3A_127] : memref<4096xi32, #tpu.memory_space<vmem>> -> memref<512xi32, #tpu.memory_space<vmem>>
    %dma_wait3A_129 = tpu.memref_slice %arg2[%dma_wait3A_126, %mul3A_2] : memref<8x16384xi32, #tpu.memory_space<hbm>> -> memref<1x512xi32, #tpu.memory_space<hbm>>
    %dma_wait3A_130 = tpu.memref_squeeze %dma_wait3A_129 : memref<1x512xi32, #tpu.memory_space<hbm>> -> memref<512xi32, #tpu.memory_space<hbm>>
    %dma_wait3A_131 = arith.constant 512 : i32
    %dma_wait3A_132 = tpu.memref_slice %arg6[%dma_wait3A_131] : memref<4096xi32, #tpu.memory_space<vmem>> -> memref<512xi32, #tpu.memory_space<vmem>>
    %dma_wait3A_133 = tpu.memref_slice %arg2[%dma_wait3A_126, %mul3A_2] : memref<8x16384xi32, #tpu.memory_space<hbm>> -> memref<1x512xi32, #tpu.memory_space<hbm>>
    %dma_wait3A_134 = tpu.memref_squeeze %dma_wait3A_133 : memref<1x512xi32, #tpu.memory_space<hbm>> -> memref<512xi32, #tpu.memory_space<hbm>>
    tpu.wait_dma2 semaphore(%arg10 : memref<!tpu.dma_semaphore, #tpu.memory_space<semaphore_mem>>) src(%dma_wait3A_134 : memref<512xi32, #tpu.memory_space<hbm>>) dst(%dma_wait3A_132 : memref<512xi32, #tpu.memory_space<vmem>>)
    %dma_wait3A_135 = arith.constant 2 : i32
    %dma_wait3A_136 = arith.constant 1024 : i32
    %dma_wait3A_137 = tpu.memref_slice %arg6[%dma_wait3A_136] : memref<4096xi32, #tpu.memory_space<vmem>> -> memref<512xi32, #tpu.memory_space<vmem>>
    %dma_wait3A_138 = tpu.memref_slice %arg2[%dma_wait3A_135, %mul3A_2] : memref<8x16384xi32, #tpu.memory_space<hbm>> -> memref<1x512xi32, #tpu.memory_space<hbm>>
    %dma_wait3A_139 = tpu.memref_squeeze %dma_wait3A_138 : memref<1x512xi32, #tpu.memory_space<hbm>> -> memref<512xi32, #tpu.memory_space<hbm>>
    %dma_wait3A_140 = arith.constant 1024 : i32
    %dma_wait3A_141 = tpu.memref_slice %arg6[%dma_wait3A_140] : memref<4096xi32, #tpu.memory_space<vmem>> -> memref<512xi32, #tpu.memory_space<vmem>>
    %dma_wait3A_142 = tpu.memref_slice %arg2[%dma_wait3A_135, %mul3A_2] : memref<8x16384xi32, #tpu.memory_space<hbm>> -> memref<1x512xi32, #tpu.memory_space<hbm>>
    %dma_wait3A_143 = tpu.memref_squeeze %dma_wait3A_142 : memref<1x512xi32, #tpu.memory_space<hbm>> -> memref<512xi32, #tpu.memory_space<hbm>>
    tpu.wait_dma2 semaphore(%arg10 : memref<!tpu.dma_semaphore, #tpu.memory_space<semaphore_mem>>) src(%dma_wait3A_143 : memref<512xi32, #tpu.memory_space<hbm>>) dst(%dma_wait3A_141 : memref<512xi32, #tpu.memory_space<vmem>>)
    %dma_wait3A_144 = arith.constant 3 : i32
    %dma_wait3A_145 = arith.constant 1536 : i32
    %dma_wait3A_146 = tpu.memref_slice %arg6[%dma_wait3A_145] : memref<4096xi32, #tpu.memory_space<vmem>> -> memref<512xi32, #tpu.memory_space<vmem>>
    %dma_wait3A_147 = tpu.memref_slice %arg2[%dma_wait3A_144, %mul3A_2] : memref<8x16384xi32, #tpu.memory_space<hbm>> -> memref<1x512xi32, #tpu.memory_space<hbm>>
    %dma_wait3A_148 = tpu.memref_squeeze %dma_wait3A_147 : memref<1x512xi32, #tpu.memory_space<hbm>> -> memref<512xi32, #tpu.memory_space<hbm>>
    %dma_wait3A_149 = arith.constant 1536 : i32
    %dma_wait3A_150 = tpu.memref_slice %arg6[%dma_wait3A_149] : memref<4096xi32, #tpu.memory_space<vmem>> -> memref<512xi32, #tpu.memory_space<vmem>>
    %dma_wait3A_151 = tpu.memref_slice %arg2[%dma_wait3A_144, %mul3A_2] : memref<8x16384xi32, #tpu.memory_space<hbm>> -> memref<1x512xi32, #tpu.memory_space<hbm>>
    %dma_wait3A_152 = tpu.memref_squeeze %dma_wait3A_151 : memref<1x512xi32, #tpu.memory_space<hbm>> -> memref<512xi32, #tpu.memory_space<hbm>>
    tpu.wait_dma2 semaphore(%arg10 : memref<!tpu.dma_semaphore, #tpu.memory_space<semaphore_mem>>) src(%dma_wait3A_152 : memref<512xi32, #tpu.memory_space<hbm>>) dst(%dma_wait3A_150 : memref<512xi32, #tpu.memory_space<vmem>>)
    %dma_wait3A_153 = arith.constant 4 : i32
    %dma_wait3A_154 = arith.constant 2048 : i32
    %dma_wait3A_155 = tpu.memref_slice %arg6[%dma_wait3A_154] : memref<4096xi32, #tpu.memory_space<vmem>> -> memref<512xi32, #tpu.memory_space<vmem>>
    %dma_wait3A_156 = tpu.memref_slice %arg2[%dma_wait3A_153, %mul3A_2] : memref<8x16384xi32, #tpu.memory_space<hbm>> -> memref<1x512xi32, #tpu.memory_space<hbm>>
    %dma_wait3A_157 = tpu.memref_squeeze %dma_wait3A_156 : memref<1x512xi32, #tpu.memory_space<hbm>> -> memref<512xi32, #tpu.memory_space<hbm>>
    %dma_wait3A_158 = arith.constant 2048 : i32
    %dma_wait3A_159 = tpu.memref_slice %arg6[%dma_wait3A_158] : memref<4096xi32, #tpu.memory_space<vmem>> -> memref<512xi32, #tpu.memory_space<vmem>>
    %dma_wait3A_160 = tpu.memref_slice %arg2[%dma_wait3A_153, %mul3A_2] : memref<8x16384xi32, #tpu.memory_space<hbm>> -> memref<1x512xi32, #tpu.memory_space<hbm>>
    %dma_wait3A_161 = tpu.memref_squeeze %dma_wait3A_160 : memref<1x512xi32, #tpu.memory_space<hbm>> -> memref<512xi32, #tpu.memory_space<hbm>>
    tpu.wait_dma2 semaphore(%arg10 : memref<!tpu.dma_semaphore, #tpu.memory_space<semaphore_mem>>) src(%dma_wait3A_161 : memref<512xi32, #tpu.memory_space<hbm>>) dst(%dma_wait3A_159 : memref<512xi32, #tpu.memory_space<vmem>>)
    %dma_wait3A_162 = arith.constant 5 : i32
    %dma_wait3A_163 = arith.constant 2560 : i32
    %dma_wait3A_164 = tpu.memref_slice %arg6[%dma_wait3A_163] : memref<4096xi32, #tpu.memory_space<vmem>> -> memref<512xi32, #tpu.memory_space<vmem>>
    %dma_wait3A_165 = tpu.memref_slice %arg2[%dma_wait3A_162, %mul3A_2] : memref<8x16384xi32, #tpu.memory_space<hbm>> -> memref<1x512xi32, #tpu.memory_space<hbm>>
    %dma_wait3A_166 = tpu.memref_squeeze %dma_wait3A_165 : memref<1x512xi32, #tpu.memory_space<hbm>> -> memref<512xi32, #tpu.memory_space<hbm>>
    %dma_wait3A_167 = arith.constant 2560 : i32
    %dma_wait3A_168 = tpu.memref_slice %arg6[%dma_wait3A_167] : memref<4096xi32, #tpu.memory_space<vmem>> -> memref<512xi32, #tpu.memory_space<vmem>>
    %dma_wait3A_169 = tpu.memref_slice %arg2[%dma_wait3A_162, %mul3A_2] : memref<8x16384xi32, #tpu.memory_space<hbm>> -> memref<1x512xi32, #tpu.memory_space<hbm>>
    %dma_wait3A_170 = tpu.memref_squeeze %dma_wait3A_169 : memref<1x512xi32, #tpu.memory_space<hbm>> -> memref<512xi32, #tpu.memory_space<hbm>>
    tpu.wait_dma2 semaphore(%arg10 : memref<!tpu.dma_semaphore, #tpu.memory_space<semaphore_mem>>) src(%dma_wait3A_170 : memref<512xi32, #tpu.memory_space<hbm>>) dst(%dma_wait3A_168 : memref<512xi32, #tpu.memory_space<vmem>>)
    %dma_wait3A_171 = arith.constant 6 : i32
    %dma_wait3A_172 = arith.constant 3072 : i32
    %dma_wait3A_173 = tpu.memref_slice %arg6[%dma_wait3A_172] : memref<4096xi32, #tpu.memory_space<vmem>> -> memref<512xi32, #tpu.memory_space<vmem>>
    %dma_wait3A_174 = tpu.memref_slice %arg2[%dma_wait3A_171, %mul3A_2] : memref<8x16384xi32, #tpu.memory_space<hbm>> -> memref<1x512xi32, #tpu.memory_space<hbm>>
    %dma_wait3A_175 = tpu.memref_squeeze %dma_wait3A_174 : memref<1x512xi32, #tpu.memory_space<hbm>> -> memref<512xi32, #tpu.memory_space<hbm>>
    %dma_wait3A_176 = arith.constant 3072 : i32
    %dma_wait3A_177 = tpu.memref_slice %arg6[%dma_wait3A_176] : memref<4096xi32, #tpu.memory_space<vmem>> -> memref<512xi32, #tpu.memory_space<vmem>>
    %dma_wait3A_178 = tpu.memref_slice %arg2[%dma_wait3A_171, %mul3A_2] : memref<8x16384xi32, #tpu.memory_space<hbm>> -> memref<1x512xi32, #tpu.memory_space<hbm>>
    %dma_wait3A_179 = tpu.memref_squeeze %dma_wait3A_178 : memref<1x512xi32, #tpu.memory_space<hbm>> -> memref<512xi32, #tpu.memory_space<hbm>>
    tpu.wait_dma2 semaphore(%arg10 : memref<!tpu.dma_semaphore, #tpu.memory_space<semaphore_mem>>) src(%dma_wait3A_179 : memref<512xi32, #tpu.memory_space<hbm>>) dst(%dma_wait3A_177 : memref<512xi32, #tpu.memory_space<vmem>>)
    %dma_wait3A_180 = arith.constant 7 : i32
    %dma_wait3A_181 = arith.constant 3584 : i32
    %dma_wait3A_182 = tpu.memref_slice %arg6[%dma_wait3A_181] : memref<4096xi32, #tpu.memory_space<vmem>> -> memref<512xi32, #tpu.memory_space<vmem>>
    %dma_wait3A_183 = tpu.memref_slice %arg2[%dma_wait3A_180, %mul3A_2] : memref<8x16384xi32, #tpu.memory_space<hbm>> -> memref<1x512xi32, #tpu.memory_space<hbm>>
    %dma_wait3A_184 = tpu.memref_squeeze %dma_wait3A_183 : memref<1x512xi32, #tpu.memory_space<hbm>> -> memref<512xi32, #tpu.memory_space<hbm>>
    %dma_wait3A_185 = arith.constant 3584 : i32
    %dma_wait3A_186 = tpu.memref_slice %arg6[%dma_wait3A_185] : memref<4096xi32, #tpu.memory_space<vmem>> -> memref<512xi32, #tpu.memory_space<vmem>>
    %dma_wait3A_187 = tpu.memref_slice %arg2[%dma_wait3A_180, %mul3A_2] : memref<8x16384xi32, #tpu.memory_space<hbm>> -> memref<1x512xi32, #tpu.memory_space<hbm>>
    %dma_wait3A_188 = tpu.memref_squeeze %dma_wait3A_187 : memref<1x512xi32, #tpu.memory_space<hbm>> -> memref<512xi32, #tpu.memory_space<hbm>>
    tpu.wait_dma2 semaphore(%arg10 : memref<!tpu.dma_semaphore, #tpu.memory_space<semaphore_mem>>) src(%dma_wait3A_188 : memref<512xi32, #tpu.memory_space<hbm>>) dst(%dma_wait3A_186 : memref<512xi32, #tpu.memory_space<vmem>>)
    %scan3A = arith.constant 0 : i32
    %scan3A_189 = arith.constant 0 : i32
    %scan3A_190 = arith.constant 32 : i32
    %scan3A_191 = arith.addi %scan3A_189, %scan3A_190 : i32
    %scan3A_192 = arith.constant 1 : i32
    scf.for %scan3A_202 = %scan3A_189 to %scan3A_191 step %scan3A_192  : i32 {
      %mul3A_203 = arith.constant 16 : i32
      %mul3A_204 = arith.muli %scan3A_202, %mul3A_203 : i32
      %broadcast_in_dim3A = arith.constant 0.000000e+00 : f32
      %broadcast_in_dim3A_205 = vector.broadcast %broadcast_in_dim3A : f32 to vector<16xf32>
      %broadcast_in_dim3A_206 = arith.constant 0.000000e+00 : f32
      %broadcast_in_dim3A_207 = vector.broadcast %broadcast_in_dim3A_206 : f32 to vector<16xf32>
      %add3A_208 = arith.constant 0 : i32
      %add3A_209 = arith.addi %add3A_208, %mul3A_204 : i32
      %get3A = arith.index_cast %add3A_209 : i32 to index
      %get3A_210 = tpu.vector_load %arg6[%get3A] {strides = array<i32>} : memref<4096xi32, #tpu.memory_space<vmem>>, vector<16xi32>,
      %gather3A = tpu.vector_load_idx %arg7[%get3A_210] : memref<16384xf32, #tpu.memory_space<vmem>>[vector<16xi32>], vector<16xf32>,
      %add3A_211 = arith.addf %broadcast_in_dim3A_205, %gather3A : vector<16xf32>
      %add3A_212 = arith.constant 8192 : i32
      %add3A_213 = vector.broadcast %add3A_212 : i32 to vector<16xi32>
      %add3A_214 = arith.addi %get3A_210, %add3A_213 : vector<16xi32>
      %gather3A_215 = tpu.vector_load_idx %arg7[%add3A_214] : memref<16384xf32, #tpu.memory_space<vmem>>[vector<16xi32>], vector<16xf32>,
      %add3A_216 = arith.addf %broadcast_in_dim3A_207, %gather3A_215 : vector<16xf32>
      %add3A_217 = arith.constant 512 : i32
      %add3A_218 = arith.addi %add3A_217, %mul3A_204 : i32
      %get3A_219 = arith.index_cast %add3A_218 : i32 to index
      %get3A_220 = tpu.vector_load %arg6[%get3A_219] {strides = array<i32>} : memref<4096xi32, #tpu.memory_space<vmem>>, vector<16xi32>,
      %gather3A_221 = tpu.vector_load_idx %arg7[%get3A_220] : memref<16384xf32, #tpu.memory_space<vmem>>[vector<16xi32>], vector<16xf32>,
      %add3A_222 = arith.addf %add3A_211, %gather3A_221 : vector<16xf32>
      %add3A_223 = arith.constant 8192 : i32
      %add3A_224 = vector.broadcast %add3A_223 : i32 to vector<16xi32>
      %add3A_225 = arith.addi %get3A_220, %add3A_224 : vector<16xi32>
      %gather3A_226 = tpu.vector_load_idx %arg7[%add3A_225] : memref<16384xf32, #tpu.memory_space<vmem>>[vector<16xi32>], vector<16xf32>,
      %add3A_227 = arith.addf %add3A_216, %gather3A_226 : vector<16xf32>
      %add3A_228 = arith.constant 1024 : i32
      %add3A_229 = arith.addi %add3A_228, %mul3A_204 : i32
      %get3A_230 = arith.index_cast %add3A_229 : i32 to index
      %get3A_231 = tpu.vector_load %arg6[%get3A_230] {strides = array<i32>} : memref<4096xi32, #tpu.memory_space<vmem>>, vector<16xi32>,
      %gather3A_232 = tpu.vector_load_idx %arg7[%get3A_231] : memref<16384xf32, #tpu.memory_space<vmem>>[vector<16xi32>], vector<16xf32>,
      %add3A_233 = arith.addf %add3A_222, %gather3A_232 : vector<16xf32>
      %add3A_234 = arith.constant 8192 : i32
      %add3A_235 = vector.broadcast %add3A_234 : i32 to vector<16xi32>
      %add3A_236 = arith.addi %get3A_231, %add3A_235 : vector<16xi32>
      %gather3A_237 = tpu.vector_load_idx %arg7[%add3A_236] : memref<16384xf32, #tpu.memory_space<vmem>>[vector<16xi32>], vector<16xf32>,
      %add3A_238 = arith.addf %add3A_227, %gather3A_237 : vector<16xf32>
      %add3A_239 = arith.constant 1536 : i32
      %add3A_240 = arith.addi %add3A_239, %mul3A_204 : i32
      %get3A_241 = arith.index_cast %add3A_240 : i32 to index
      %get3A_242 = tpu.vector_load %arg6[%get3A_241] {strides = array<i32>} : memref<4096xi32, #tpu.memory_space<vmem>>, vector<16xi32>,
      %gather3A_243 = tpu.vector_load_idx %arg7[%get3A_242] : memref<16384xf32, #tpu.memory_space<vmem>>[vector<16xi32>], vector<16xf32>,
      %add3A_244 = arith.addf %add3A_233, %gather3A_243 : vector<16xf32>
      %add3A_245 = arith.constant 8192 : i32
      %add3A_246 = vector.broadcast %add3A_245 : i32 to vector<16xi32>
      %add3A_247 = arith.addi %get3A_242, %add3A_246 : vector<16xi32>
      %gather3A_248 = tpu.vector_load_idx %arg7[%add3A_247] : memref<16384xf32, #tpu.memory_space<vmem>>[vector<16xi32>], vector<16xf32>,
      %add3A_249 = arith.addf %add3A_238, %gather3A_248 : vector<16xf32>
      %add3A_250 = arith.constant 2048 : i32
      %add3A_251 = arith.addi %add3A_250, %mul3A_204 : i32
      %get3A_252 = arith.index_cast %add3A_251 : i32 to index
      %get3A_253 = tpu.vector_load %arg6[%get3A_252] {strides = array<i32>} : memref<4096xi32, #tpu.memory_space<vmem>>, vector<16xi32>,
      %gather3A_254 = tpu.vector_load_idx %arg7[%get3A_253] : memref<16384xf32, #tpu.memory_space<vmem>>[vector<16xi32>], vector<16xf32>,
      %add3A_255 = arith.addf %add3A_244, %gather3A_254 : vector<16xf32>
      %add3A_256 = arith.constant 8192 : i32
      %add3A_257 = vector.broadcast %add3A_256 : i32 to vector<16xi32>
      %add3A_258 = arith.addi %get3A_253, %add3A_257 : vector<16xi32>
      %gather3A_259 = tpu.vector_load_idx %arg7[%add3A_258] : memref<16384xf32, #tpu.memory_space<vmem>>[vector<16xi32>], vector<16xf32>,
      %add3A_260 = arith.addf %add3A_249, %gather3A_259 : vector<16xf32>
      %add3A_261 = arith.constant 2560 : i32
      %add3A_262 = arith.addi %add3A_261, %mul3A_204 : i32
      %get3A_263 = arith.index_cast %add3A_262 : i32 to index
      %get3A_264 = tpu.vector_load %arg6[%get3A_263] {strides = array<i32>} : memref<4096xi32, #tpu.memory_space<vmem>>, vector<16xi32>,
      %gather3A_265 = tpu.vector_load_idx %arg7[%get3A_264] : memref<16384xf32, #tpu.memory_space<vmem>>[vector<16xi32>], vector<16xf32>,
      %add3A_266 = arith.addf %add3A_255, %gather3A_265 : vector<16xf32>
      %add3A_267 = arith.constant 8192 : i32
      %add3A_268 = vector.broadcast %add3A_267 : i32 to vector<16xi32>
      %add3A_269 = arith.addi %get3A_264, %add3A_268 : vector<16xi32>
      %gather3A_270 = tpu.vector_load_idx %arg7[%add3A_269] : memref<16384xf32, #tpu.memory_space<vmem>>[vector<16xi32>], vector<16xf32>,
      %add3A_271 = arith.addf %add3A_260, %gather3A_270 : vector<16xf32>
      %add3A_272 = arith.constant 3072 : i32
      %add3A_273 = arith.addi %add3A_272, %mul3A_204 : i32
      %get3A_274 = arith.index_cast %add3A_273 : i32 to index
      %get3A_275 = tpu.vector_load %arg6[%get3A_274] {strides = array<i32>} : memref<4096xi32, #tpu.memory_space<vmem>>, vector<16xi32>,
      %gather3A_276 = tpu.vector_load_idx %arg7[%get3A_275] : memref<16384xf32, #tpu.memory_space<vmem>>[vector<16xi32>], vector<16xf32>,
      %add3A_277 = arith.addf %add3A_266, %gather3A_276 : vector<16xf32>
      %add3A_278 = arith.constant 8192 : i32
      %add3A_279 = vector.broadcast %add3A_278 : i32 to vector<16xi32>
      %add3A_280 = arith.addi %get3A_275, %add3A_279 : vector<16xi32>
      %gather3A_281 = tpu.vector_load_idx %arg7[%add3A_280] : memref<16384xf32, #tpu.memory_space<vmem>>[vector<16xi32>], vector<16xf32>,
      %add3A_282 = arith.addf %add3A_271, %gather3A_281 : vector<16xf32>
      %add3A_283 = arith.constant 3584 : i32
      %add3A_284 = arith.addi %add3A_283, %mul3A_204 : i32
      %get3A_285 = arith.index_cast %add3A_284 : i32 to index
      %get3A_286 = tpu.vector_load %arg6[%get3A_285] {strides = array<i32>} : memref<4096xi32, #tpu.memory_space<vmem>>, vector<16xi32>,
      %gather3A_287 = tpu.vector_load_idx %arg7[%get3A_286] : memref<16384xf32, #tpu.memory_space<vmem>>[vector<16xi32>], vector<16xf32>,
      %add3A_288 = arith.addf %add3A_277, %gather3A_287 : vector<16xf32>
      %add3A_289 = arith.constant 8192 : i32
      %add3A_290 = vector.broadcast %add3A_289 : i32 to vector<16xi32>
      %add3A_291 = arith.addi %get3A_286, %add3A_290 : vector<16xi32>
      %gather3A_292 = tpu.vector_load_idx %arg7[%add3A_291] : memref<16384xf32, #tpu.memory_space<vmem>>[vector<16xi32>], vector<16xf32>,
      %add3A_293 = arith.addf %add3A_282, %gather3A_292 : vector<16xf32>
      %swap3A = arith.index_cast %mul3A_204 : i32 to index
      %swap3A_294 = tpu.vector_load %arg8[%swap3A] {strides = array<i32>} : memref<512xf32, #tpu.memory_space<vmem>>, vector<16xf32>,
      tpu.vector_store %arg8[%swap3A], %add3A_288 {strides = array<i32>} : memref<512xf32, #tpu.memory_space<vmem>>, vector<16xf32>,
      %swap3A_295 = arith.index_cast %mul3A_204 : i32 to index
      %swap3A_296 = tpu.vector_load %arg9[%swap3A_295] {strides = array<i32>} : memref<512xf32, #tpu.memory_space<vmem>>, vector<16xf32>,
      tpu.vector_store %arg9[%swap3A_295], %add3A_293 {strides = array<i32>} : memref<512xf32, #tpu.memory_space<vmem>>, vector<16xf32>,
    }
    %scan3A_193 = arith.constant 32 : i32
    %dma_start3A_194 = tpu.memref_slice %arg4[%mul3A_2] : memref<16384xf32, #tpu.memory_space<hbm>> -> memref<512xf32, #tpu.memory_space<hbm>>
    %dma_start3A_195 = tpu.memref_slice %arg4[%mul3A_2] : memref<16384xf32, #tpu.memory_space<hbm>> -> memref<512xf32, #tpu.memory_space<hbm>>
    tpu.enqueue_dma source(%arg8 : memref<512xf32, #tpu.memory_space<vmem>>) target(%dma_start3A_195 : memref<512xf32, #tpu.memory_space<hbm>>) target_semaphore(%arg10 : memref<!tpu.dma_semaphore, #tpu.memory_space<semaphore_mem>>)
    %dma_start3A_196 = tpu.memref_slice %arg5[%mul3A_2] : memref<16384xf32, #tpu.memory_space<hbm>> -> memref<512xf32, #tpu.memory_space<hbm>>
    %dma_start3A_197 = tpu.memref_slice %arg5[%mul3A_2] : memref<16384xf32, #tpu.memory_space<hbm>> -> memref<512xf32, #tpu.memory_space<hbm>>
    tpu.enqueue_dma source(%arg9 : memref<512xf32, #tpu.memory_space<vmem>>) target(%dma_start3A_197 : memref<512xf32, #tpu.memory_space<hbm>>) target_semaphore(%arg10 : memref<!tpu.dma_semaphore, #tpu.memory_space<semaphore_mem>>)
    %dma_wait3A_198 = tpu.memref_slice %arg4[%mul3A_2] : memref<16384xf32, #tpu.memory_space<hbm>> -> memref<512xf32, #tpu.memory_space<hbm>>
    %dma_wait3A_199 = tpu.memref_slice %arg4[%mul3A_2] : memref<16384xf32, #tpu.memory_space<hbm>> -> memref<512xf32, #tpu.memory_space<hbm>>
    tpu.wait_dma2 semaphore(%arg10 : memref<!tpu.dma_semaphore, #tpu.memory_space<semaphore_mem>>) src(%arg8 : memref<512xf32, #tpu.memory_space<vmem>>) dst(%dma_wait3A_199 : memref<512xf32, #tpu.memory_space<hbm>>)
    %dma_wait3A_200 = tpu.memref_slice %arg5[%mul3A_2] : memref<16384xf32, #tpu.memory_space<hbm>> -> memref<512xf32, #tpu.memory_space<hbm>>
    %dma_wait3A_201 = tpu.memref_slice %arg5[%mul3A_2] : memref<16384xf32, #tpu.memory_space<hbm>> -> memref<512xf32, #tpu.memory_space<hbm>>
    tpu.wait_dma2 semaphore(%arg10 : memref<!tpu.dma_semaphore, #tpu.memory_space<semaphore_mem>>) src(%arg9 : memref<512xf32, #tpu.memory_space<vmem>>) dst(%dma_wait3A_201 : memref<512xf32, #tpu.memory_space<hbm>>)
    return
  }
}

module attributes {stable_mosaic.version = 14 : i64} {
  func.func @_tc_body(%arg0: i32, %arg1: memref<4096x256xf32, #tpu.memory_space<vmem>>, %arg2: memref<80x256xbf16, #tpu.memory_space<vmem>>, %arg3: memref<80x1xf32, #tpu.memory_space<vmem>>, %arg4: memref<8x80xf32, #tpu.memory_space<vmem>>, %arg5: memref<8x1024x4xf32, #tpu.memory_space<vmem>>, %arg6: memref<32x2xf32, #tpu.memory_space<vmem>>, %arg7: memref<2x1xf32, #tpu.memory_space<vmem>>, %arg8: memref<8x4096xi32, #tpu.memory_space<vmem>>, %arg9: memref<2x8192xf32, #tpu.memory_space<vmem>>) attributes {dimension_semantics = [#tpu.dimension_semantics<arbitrary>], iteration_bounds = array<i64: 4>, scalar_prefetch = 0 : i64, scratch_operands = 0 : i64, tpu.core_type = #tpu.core_type<tc>, window_params = [{transform_indices = @transform_0, window_bounds = array<i64: 4096, 256>}, {pipeline_mode = #tpu.pipeline_mode<synchronous>, transform_indices = @transform_1, window_bounds = array<i64: 80, 256>}, {pipeline_mode = #tpu.pipeline_mode<synchronous>, transform_indices = @transform_2, window_bounds = array<i64: 80, 1>}, {pipeline_mode = #tpu.pipeline_mode<synchronous>, transform_indices = @transform_3, window_bounds = array<i64: 8, 80>}, {pipeline_mode = #tpu.pipeline_mode<synchronous>, transform_indices = @transform_4, window_bounds = array<i64: 8, 1024, 4>}, {pipeline_mode = #tpu.pipeline_mode<synchronous>, transform_indices = @transform_5, window_bounds = array<i64: 32, 2>}, {pipeline_mode = #tpu.pipeline_mode<synchronous>, transform_indices = @transform_6, window_bounds = array<i64: 2, 1>}, {transform_indices = @transform_7, window_bounds = array<i64: 8, 4096>}, {pipeline_mode = #tpu.pipeline_mode<synchronous>, transform_indices = @transform_8, window_bounds = array<i64: 2, 8192>}]} {
    %get3A = arith.constant 0 : index
    %get3A_0 = arith.constant 0 : index
    %get3A_1 = vector.load %arg2[%get3A, %get3A_0] : memref<80x256xbf16, #tpu.memory_space<vmem>>, vector<80x256xbf16>
    %get3A_2 = arith.constant 0 : index
    %get3A_3 = arith.constant 0 : index
    %get3A_4 = vector.load %arg1[%get3A_2, %get3A_3] : memref<4096x256xf32, #tpu.memory_space<vmem>>, vector<4096x256xf32>
    %convert_element_type3A = arith.truncf %get3A_4 : vector<4096x256xf32> to vector<4096x256xbf16>
    %dot_general3A = arith.constant dense<0.000000e+00> : vector<80x4096xf32>
    %dot_general3A_5 = tpu.matmul %get3A_1, %convert_element_type3A, %dot_general3A {dimension_numbers = #tpu.dot_dimension_numbers<[1], [1], [0], [0], [0, 0, 1, 0], [], []>, transpose_lhs_hint = false} : vector<80x256xbf16>, vector<4096x256xbf16>, vector<80x4096xf32> -> vector<80x4096xf32>
    %get3A_6 = arith.constant 0 : index
    %get3A_7 = arith.constant 0 : index
    %get3A_8 = vector.load %arg3[%get3A_6, %get3A_7] : memref<80x1xf32, #tpu.memory_space<vmem>>, vector<80x1xf32>
    %add3A = vector.broadcast %get3A_8 : vector<80x1xf32> to vector<80x4096xf32>
    %add3A_9 = arith.addf %dot_general3A_5, %add3A : vector<80x4096xf32>
    %gt3A = arith.constant 0.000000e+00 : f32
    %gt3A_10 = vector.broadcast %gt3A : f32 to vector<80x4096xf32>
    %gt3A_11 = arith.cmpf ogt, %add3A_9, %gt3A_10 : vector<80x4096xf32>
    %convert_element_type3A_12 = arith.extui %gt3A_11 : vector<80x4096xi1> to vector<80x4096xi32>
    %convert_element_type3A_13 = arith.sitofp %convert_element_type3A_12 : vector<80x4096xi32> to vector<80x4096xf32>
    %get3A_14 = arith.constant 0 : index
    %get3A_15 = arith.constant 0 : index
    %get3A_16 = vector.load %arg4[%get3A_14, %get3A_15] : memref<8x80xf32, #tpu.memory_space<vmem>>, vector<8x80xf32>
    %dot_general3A_17 = arith.constant dense<0.000000e+00> : vector<8x4096xf32>
    %dot_general3A_18 = tpu.matmul %get3A_16, %convert_element_type3A_13, %dot_general3A_17 {dimension_numbers = #tpu.dot_dimension_numbers<[1], [0], [0], [1], [0, 0, 1, 1], [], []>, transpose_lhs_hint = false} : vector<8x80xf32>, vector<80x4096xf32>, vector<8x4096xf32> -> vector<8x4096xf32>
    %iota3A = tpu.iota {dimensions = array<i32: 0>} : vector<8x1xi32>
    %mul3A = arith.constant 1024 : i32
    %mul3A_19 = vector.broadcast %mul3A : i32 to vector<8x1xi32>
    %mul3A_20 = arith.muli %iota3A, %mul3A_19 : vector<8x1xi32>
    %convert_element_type3A_21 = arith.fptosi %dot_general3A_18 : vector<8x4096xf32> to vector<8x4096xi32>
    %add3A_22 = vector.broadcast %mul3A_20 : vector<8x1xi32> to vector<8x4096xi32>
    %add3A_23 = arith.addi %convert_element_type3A_21, %add3A_22 : vector<8x4096xi32>
    %swap3A = arith.constant 0 : index
    %swap3A_24 = arith.constant 0 : index
    %swap3A_25 = vector.load %arg8[%swap3A, %swap3A_24] : memref<8x4096xi32, #tpu.memory_space<vmem>>, vector<8x4096xi32>
    tpu.vector_store %arg8[%swap3A, %swap3A_24], %add3A_23 {strides = array<i32>} : memref<8x4096xi32, #tpu.memory_space<vmem>>, vector<8x4096xi32>,
    %eq3A = arith.constant 0 : i32
    %eq3A_26 = arith.cmpi eq, %arg0, %eq3A : i32
    %convert_element_type3A_27 = arith.extui %eq3A_26 : i1 to i32
    %cond3A = arith.constant 0 : i32
    %cond3A_28 = arith.cmpi ne, %convert_element_type3A_27, %cond3A : i32
    scf.if %cond3A_28 {
      %get3A_29 = arith.constant 0 : index
      %get3A_30 = arith.constant 0 : index
      %get3A_31 = vector.load %arg6[%get3A_29, %get3A_30] : memref<32x2xf32, #tpu.memory_space<vmem>>, vector<4x2xf32>
      %get3A_32 = arith.constant 0 : index
      %get3A_33 = arith.constant 0 : index
      %get3A_34 = arith.constant 0 : index
      %get3A_35 = vector.load %arg5[%get3A_32, %get3A_33, %get3A_34] : memref<8x1024x4xf32, #tpu.memory_space<vmem>>, vector<1x1024x4xf32>
      %get3A_36 = vector.shape_cast %get3A_35 : vector<1x1024x4xf32> to vector<1024x4xf32>
      %dot_general3A_37 = arith.constant dense<0.000000e+00> : vector<2x1024xf32>
      %dot_general3A_38 = tpu.matmul %get3A_31, %get3A_36, %dot_general3A_37 {dimension_numbers = #tpu.dot_dimension_numbers<[0], [1], [1], [0], [0, 1, 1, 0], [], []>, transpose_lhs_hint = false} : vector<4x2xf32>, vector<1024x4xf32>, vector<2x1024xf32> -> vector<2x1024xf32>
      %get3A_39 = arith.constant 0 : index
      %get3A_40 = arith.constant 0 : index
      %get3A_41 = vector.load %arg7[%get3A_39, %get3A_40] : memref<2x1xf32, #tpu.memory_space<vmem>>, vector<2x1xf32>
      %mul3A_42 = arith.constant 1.250000e-01 : f32
      %mul3A_43 = vector.broadcast %mul3A_42 : f32 to vector<2x1xf32>
      %mul3A_44 = arith.mulf %get3A_41, %mul3A_43 : vector<2x1xf32>
      %add3A_45 = vector.broadcast %mul3A_44 : vector<2x1xf32> to vector<2x1024xf32>
      %add3A_46 = arith.addf %dot_general3A_38, %add3A_45 : vector<2x1024xf32>
      %swap3A_47 = arith.constant 0 : index
      %swap3A_48 = arith.constant 0 : index
      %swap3A_49 = vector.load %arg9[%swap3A_47, %swap3A_48] : memref<2x8192xf32, #tpu.memory_space<vmem>>, vector<2x1024xf32>
      tpu.vector_store %arg9[%swap3A_47, %swap3A_48], %add3A_46 {strides = array<i32>} : memref<2x8192xf32, #tpu.memory_space<vmem>>, vector<2x1024xf32>,
      %get3A_50 = arith.constant 4 : index
      %get3A_51 = arith.constant 0 : index
      %get3A_52 = vector.load %arg6[%get3A_50, %get3A_51] : memref<32x2xf32, #tpu.memory_space<vmem>>, vector<4x2xf32>
      %get3A_53 = arith.constant 1 : index
      %get3A_54 = arith.constant 0 : index
      %get3A_55 = arith.constant 0 : index
      %get3A_56 = vector.load %arg5[%get3A_53, %get3A_54, %get3A_55] : memref<8x1024x4xf32, #tpu.memory_space<vmem>>, vector<1x1024x4xf32>
      %get3A_57 = vector.shape_cast %get3A_56 : vector<1x1024x4xf32> to vector<1024x4xf32>
      %dot_general3A_58 = arith.constant dense<0.000000e+00> : vector<2x1024xf32>
      %dot_general3A_59 = tpu.matmul %get3A_52, %get3A_57, %dot_general3A_58 {dimension_numbers = #tpu.dot_dimension_numbers<[0], [1], [1], [0], [0, 1, 1, 0], [], []>, transpose_lhs_hint = false} : vector<4x2xf32>, vector<1024x4xf32>, vector<2x1024xf32> -> vector<2x1024xf32>
      %get3A_60 = arith.constant 0 : index
      %get3A_61 = arith.constant 0 : index
      %get3A_62 = vector.load %arg7[%get3A_60, %get3A_61] : memref<2x1xf32, #tpu.memory_space<vmem>>, vector<2x1xf32>
      %mul3A_63 = arith.constant 1.250000e-01 : f32
      %mul3A_64 = vector.broadcast %mul3A_63 : f32 to vector<2x1xf32>
      %mul3A_65 = arith.mulf %get3A_62, %mul3A_64 : vector<2x1xf32>
      %add3A_66 = vector.broadcast %mul3A_65 : vector<2x1xf32> to vector<2x1024xf32>
      %add3A_67 = arith.addf %dot_general3A_59, %add3A_66 : vector<2x1024xf32>
      %swap3A_68 = arith.constant 0 : index
      %swap3A_69 = arith.constant 1024 : index
      %swap3A_70 = vector.load %arg9[%swap3A_68, %swap3A_69] : memref<2x8192xf32, #tpu.memory_space<vmem>>, vector<2x1024xf32>
      tpu.vector_store %arg9[%swap3A_68, %swap3A_69], %add3A_67 {strides = array<i32>} : memref<2x8192xf32, #tpu.memory_space<vmem>>, vector<2x1024xf32>,
      %get3A_71 = arith.constant 8 : index
      %get3A_72 = arith.constant 0 : index
      %get3A_73 = vector.load %arg6[%get3A_71, %get3A_72] : memref<32x2xf32, #tpu.memory_space<vmem>>, vector<4x2xf32>
      %get3A_74 = arith.constant 2 : index
      %get3A_75 = arith.constant 0 : index
      %get3A_76 = arith.constant 0 : index
      %get3A_77 = vector.load %arg5[%get3A_74, %get3A_75, %get3A_76] : memref<8x1024x4xf32, #tpu.memory_space<vmem>>, vector<1x1024x4xf32>
      %get3A_78 = vector.shape_cast %get3A_77 : vector<1x1024x4xf32> to vector<1024x4xf32>
      %dot_general3A_79 = arith.constant dense<0.000000e+00> : vector<2x1024xf32>
      %dot_general3A_80 = tpu.matmul %get3A_73, %get3A_78, %dot_general3A_79 {dimension_numbers = #tpu.dot_dimension_numbers<[0], [1], [1], [0], [0, 1, 1, 0], [], []>, transpose_lhs_hint = false} : vector<4x2xf32>, vector<1024x4xf32>, vector<2x1024xf32> -> vector<2x1024xf32>
      %get3A_81 = arith.constant 0 : index
      %get3A_82 = arith.constant 0 : index
      %get3A_83 = vector.load %arg7[%get3A_81, %get3A_82] : memref<2x1xf32, #tpu.memory_space<vmem>>, vector<2x1xf32>
      %mul3A_84 = arith.constant 1.250000e-01 : f32
      %mul3A_85 = vector.broadcast %mul3A_84 : f32 to vector<2x1xf32>
      %mul3A_86 = arith.mulf %get3A_83, %mul3A_85 : vector<2x1xf32>
      %add3A_87 = vector.broadcast %mul3A_86 : vector<2x1xf32> to vector<2x1024xf32>
      %add3A_88 = arith.addf %dot_general3A_80, %add3A_87 : vector<2x1024xf32>
      %swap3A_89 = arith.constant 0 : index
      %swap3A_90 = arith.constant 2048 : index
      %swap3A_91 = vector.load %arg9[%swap3A_89, %swap3A_90] : memref<2x8192xf32, #tpu.memory_space<vmem>>, vector<2x1024xf32>
      tpu.vector_store %arg9[%swap3A_89, %swap3A_90], %add3A_88 {strides = array<i32>} : memref<2x8192xf32, #tpu.memory_space<vmem>>, vector<2x1024xf32>,
      %get3A_92 = arith.constant 12 : index
      %get3A_93 = arith.constant 0 : index
      %get3A_94 = vector.load %arg6[%get3A_92, %get3A_93] : memref<32x2xf32, #tpu.memory_space<vmem>>, vector<4x2xf32>
      %get3A_95 = arith.constant 3 : index
      %get3A_96 = arith.constant 0 : index
      %get3A_97 = arith.constant 0 : index
      %get3A_98 = vector.load %arg5[%get3A_95, %get3A_96, %get3A_97] : memref<8x1024x4xf32, #tpu.memory_space<vmem>>, vector<1x1024x4xf32>
      %get3A_99 = vector.shape_cast %get3A_98 : vector<1x1024x4xf32> to vector<1024x4xf32>
      %dot_general3A_100 = arith.constant dense<0.000000e+00> : vector<2x1024xf32>
      %dot_general3A_101 = tpu.matmul %get3A_94, %get3A_99, %dot_general3A_100 {dimension_numbers = #tpu.dot_dimension_numbers<[0], [1], [1], [0], [0, 1, 1, 0], [], []>, transpose_lhs_hint = false} : vector<4x2xf32>, vector<1024x4xf32>, vector<2x1024xf32> -> vector<2x1024xf32>
      %get3A_102 = arith.constant 0 : index
      %get3A_103 = arith.constant 0 : index
      %get3A_104 = vector.load %arg7[%get3A_102, %get3A_103] : memref<2x1xf32, #tpu.memory_space<vmem>>, vector<2x1xf32>
      %mul3A_105 = arith.constant 1.250000e-01 : f32
      %mul3A_106 = vector.broadcast %mul3A_105 : f32 to vector<2x1xf32>
      %mul3A_107 = arith.mulf %get3A_104, %mul3A_106 : vector<2x1xf32>
      %add3A_108 = vector.broadcast %mul3A_107 : vector<2x1xf32> to vector<2x1024xf32>
      %add3A_109 = arith.addf %dot_general3A_101, %add3A_108 : vector<2x1024xf32>
      %swap3A_110 = arith.constant 0 : index
      %swap3A_111 = arith.constant 3072 : index
      %swap3A_112 = vector.load %arg9[%swap3A_110, %swap3A_111] : memref<2x8192xf32, #tpu.memory_space<vmem>>, vector<2x1024xf32>
      tpu.vector_store %arg9[%swap3A_110, %swap3A_111], %add3A_109 {strides = array<i32>} : memref<2x8192xf32, #tpu.memory_space<vmem>>, vector<2x1024xf32>,
      %get3A_113 = arith.constant 16 : index
      %get3A_114 = arith.constant 0 : index
      %get3A_115 = vector.load %arg6[%get3A_113, %get3A_114] : memref<32x2xf32, #tpu.memory_space<vmem>>, vector<4x2xf32>
      %get3A_116 = arith.constant 4 : index
      %get3A_117 = arith.constant 0 : index
      %get3A_118 = arith.constant 0 : index
      %get3A_119 = vector.load %arg5[%get3A_116, %get3A_117, %get3A_118] : memref<8x1024x4xf32, #tpu.memory_space<vmem>>, vector<1x1024x4xf32>
      %get3A_120 = vector.shape_cast %get3A_119 : vector<1x1024x4xf32> to vector<1024x4xf32>
      %dot_general3A_121 = arith.constant dense<0.000000e+00> : vector<2x1024xf32>
      %dot_general3A_122 = tpu.matmul %get3A_115, %get3A_120, %dot_general3A_121 {dimension_numbers = #tpu.dot_dimension_numbers<[0], [1], [1], [0], [0, 1, 1, 0], [], []>, transpose_lhs_hint = false} : vector<4x2xf32>, vector<1024x4xf32>, vector<2x1024xf32> -> vector<2x1024xf32>
      %get3A_123 = arith.constant 0 : index
      %get3A_124 = arith.constant 0 : index
      %get3A_125 = vector.load %arg7[%get3A_123, %get3A_124] : memref<2x1xf32, #tpu.memory_space<vmem>>, vector<2x1xf32>
      %mul3A_126 = arith.constant 1.250000e-01 : f32
      %mul3A_127 = vector.broadcast %mul3A_126 : f32 to vector<2x1xf32>
      %mul3A_128 = arith.mulf %get3A_125, %mul3A_127 : vector<2x1xf32>
      %add3A_129 = vector.broadcast %mul3A_128 : vector<2x1xf32> to vector<2x1024xf32>
      %add3A_130 = arith.addf %dot_general3A_122, %add3A_129 : vector<2x1024xf32>
      %swap3A_131 = arith.constant 0 : index
      %swap3A_132 = arith.constant 4096 : index
      %swap3A_133 = vector.load %arg9[%swap3A_131, %swap3A_132] : memref<2x8192xf32, #tpu.memory_space<vmem>>, vector<2x1024xf32>
      tpu.vector_store %arg9[%swap3A_131, %swap3A_132], %add3A_130 {strides = array<i32>} : memref<2x8192xf32, #tpu.memory_space<vmem>>, vector<2x1024xf32>,
      %get3A_134 = arith.constant 20 : index
      %get3A_135 = arith.constant 0 : index
      %get3A_136 = vector.load %arg6[%get3A_134, %get3A_135] : memref<32x2xf32, #tpu.memory_space<vmem>>, vector<4x2xf32>
      %get3A_137 = arith.constant 5 : index
      %get3A_138 = arith.constant 0 : index
      %get3A_139 = arith.constant 0 : index
      %get3A_140 = vector.load %arg5[%get3A_137, %get3A_138, %get3A_139] : memref<8x1024x4xf32, #tpu.memory_space<vmem>>, vector<1x1024x4xf32>
      %get3A_141 = vector.shape_cast %get3A_140 : vector<1x1024x4xf32> to vector<1024x4xf32>
      %dot_general3A_142 = arith.constant dense<0.000000e+00> : vector<2x1024xf32>
      %dot_general3A_143 = tpu.matmul %get3A_136, %get3A_141, %dot_general3A_142 {dimension_numbers = #tpu.dot_dimension_numbers<[0], [1], [1], [0], [0, 1, 1, 0], [], []>, transpose_lhs_hint = false} : vector<4x2xf32>, vector<1024x4xf32>, vector<2x1024xf32> -> vector<2x1024xf32>
      %get3A_144 = arith.constant 0 : index
      %get3A_145 = arith.constant 0 : index
      %get3A_146 = vector.load %arg7[%get3A_144, %get3A_145] : memref<2x1xf32, #tpu.memory_space<vmem>>, vector<2x1xf32>
      %mul3A_147 = arith.constant 1.250000e-01 : f32
      %mul3A_148 = vector.broadcast %mul3A_147 : f32 to vector<2x1xf32>
      %mul3A_149 = arith.mulf %get3A_146, %mul3A_148 : vector<2x1xf32>
      %add3A_150 = vector.broadcast %mul3A_149 : vector<2x1xf32> to vector<2x1024xf32>
      %add3A_151 = arith.addf %dot_general3A_143, %add3A_150 : vector<2x1024xf32>
      %swap3A_152 = arith.constant 0 : index
      %swap3A_153 = arith.constant 5120 : index
      %swap3A_154 = vector.load %arg9[%swap3A_152, %swap3A_153] : memref<2x8192xf32, #tpu.memory_space<vmem>>, vector<2x1024xf32>
      tpu.vector_store %arg9[%swap3A_152, %swap3A_153], %add3A_151 {strides = array<i32>} : memref<2x8192xf32, #tpu.memory_space<vmem>>, vector<2x1024xf32>,
      %get3A_155 = arith.constant 24 : index
      %get3A_156 = arith.constant 0 : index
      %get3A_157 = vector.load %arg6[%get3A_155, %get3A_156] : memref<32x2xf32, #tpu.memory_space<vmem>>, vector<4x2xf32>
      %get3A_158 = arith.constant 6 : index
      %get3A_159 = arith.constant 0 : index
      %get3A_160 = arith.constant 0 : index
      %get3A_161 = vector.load %arg5[%get3A_158, %get3A_159, %get3A_160] : memref<8x1024x4xf32, #tpu.memory_space<vmem>>, vector<1x1024x4xf32>
      %get3A_162 = vector.shape_cast %get3A_161 : vector<1x1024x4xf32> to vector<1024x4xf32>
      %dot_general3A_163 = arith.constant dense<0.000000e+00> : vector<2x1024xf32>
      %dot_general3A_164 = tpu.matmul %get3A_157, %get3A_162, %dot_general3A_163 {dimension_numbers = #tpu.dot_dimension_numbers<[0], [1], [1], [0], [0, 1, 1, 0], [], []>, transpose_lhs_hint = false} : vector<4x2xf32>, vector<1024x4xf32>, vector<2x1024xf32> -> vector<2x1024xf32>
      %get3A_165 = arith.constant 0 : index
      %get3A_166 = arith.constant 0 : index
      %get3A_167 = vector.load %arg7[%get3A_165, %get3A_166] : memref<2x1xf32, #tpu.memory_space<vmem>>, vector<2x1xf32>
      %mul3A_168 = arith.constant 1.250000e-01 : f32
      %mul3A_169 = vector.broadcast %mul3A_168 : f32 to vector<2x1xf32>
      %mul3A_170 = arith.mulf %get3A_167, %mul3A_169 : vector<2x1xf32>
      %add3A_171 = vector.broadcast %mul3A_170 : vector<2x1xf32> to vector<2x1024xf32>
      %add3A_172 = arith.addf %dot_general3A_164, %add3A_171 : vector<2x1024xf32>
      %swap3A_173 = arith.constant 0 : index
      %swap3A_174 = arith.constant 6144 : index
      %swap3A_175 = vector.load %arg9[%swap3A_173, %swap3A_174] : memref<2x8192xf32, #tpu.memory_space<vmem>>, vector<2x1024xf32>
      tpu.vector_store %arg9[%swap3A_173, %swap3A_174], %add3A_172 {strides = array<i32>} : memref<2x8192xf32, #tpu.memory_space<vmem>>, vector<2x1024xf32>,
      %get3A_176 = arith.constant 28 : index
      %get3A_177 = arith.constant 0 : index
      %get3A_178 = vector.load %arg6[%get3A_176, %get3A_177] : memref<32x2xf32, #tpu.memory_space<vmem>>, vector<4x2xf32>
      %get3A_179 = arith.constant 7 : index
      %get3A_180 = arith.constant 0 : index
      %get3A_181 = arith.constant 0 : index
      %get3A_182 = vector.load %arg5[%get3A_179, %get3A_180, %get3A_181] : memref<8x1024x4xf32, #tpu.memory_space<vmem>>, vector<1x1024x4xf32>
      %get3A_183 = vector.shape_cast %get3A_182 : vector<1x1024x4xf32> to vector<1024x4xf32>
      %dot_general3A_184 = arith.constant dense<0.000000e+00> : vector<2x1024xf32>
      %dot_general3A_185 = tpu.matmul %get3A_178, %get3A_183, %dot_general3A_184 {dimension_numbers = #tpu.dot_dimension_numbers<[0], [1], [1], [0], [0, 1, 1, 0], [], []>, transpose_lhs_hint = false} : vector<4x2xf32>, vector<1024x4xf32>, vector<2x1024xf32> -> vector<2x1024xf32>
      %get3A_186 = arith.constant 0 : index
      %get3A_187 = arith.constant 0 : index
      %get3A_188 = vector.load %arg7[%get3A_186, %get3A_187] : memref<2x1xf32, #tpu.memory_space<vmem>>, vector<2x1xf32>
      %mul3A_189 = arith.constant 1.250000e-01 : f32
      %mul3A_190 = vector.broadcast %mul3A_189 : f32 to vector<2x1xf32>
      %mul3A_191 = arith.mulf %get3A_188, %mul3A_190 : vector<2x1xf32>
      %add3A_192 = vector.broadcast %mul3A_191 : vector<2x1xf32> to vector<2x1024xf32>
      %add3A_193 = arith.addf %dot_general3A_185, %add3A_192 : vector<2x1024xf32>
      %swap3A_194 = arith.constant 0 : index
      %swap3A_195 = arith.constant 7168 : index
      %swap3A_196 = vector.load %arg9[%swap3A_194, %swap3A_195] : memref<2x8192xf32, #tpu.memory_space<vmem>>, vector<2x1024xf32>
      tpu.vector_store %arg9[%swap3A_194, %swap3A_195], %add3A_193 {strides = array<i32>} : memref<2x8192xf32, #tpu.memory_space<vmem>>, vector<2x1024xf32>,
    } else {
    }
    return
  }
  func.func @transform_0(%arg0: i32) -> (i32, i32) {
    %c0_i32 = arith.constant 0 : i32
    %c0_i32_0 = arith.constant 0 : i32
    return %arg0, %c0_i32 : i32, i32
  }
  func.func @transform_1(%arg0: i32) -> (i32, i32) {
    %c0_i32 = arith.constant 0 : i32
    %c0_i32_0 = arith.constant 0 : i32
    %c0_i32_1 = arith.constant 0 : i32
    return %c0_i32, %c0_i32_0 : i32, i32
  }
  func.func @transform_2(%arg0: i32) -> (i32, i32) {
    %c0_i32 = arith.constant 0 : i32
    %c0_i32_0 = arith.constant 0 : i32
    %c0_i32_1 = arith.constant 0 : i32
    return %c0_i32, %c0_i32_0 : i32, i32
  }
  func.func @transform_3(%arg0: i32) -> (i32, i32) {
    %c0_i32 = arith.constant 0 : i32
    %c0_i32_0 = arith.constant 0 : i32
    %c0_i32_1 = arith.constant 0 : i32
    return %c0_i32, %c0_i32_0 : i32, i32
  }
  func.func @transform_4(%arg0: i32) -> (i32, i32, i32) {
    %c0_i32 = arith.constant 0 : i32
    %c0_i32_0 = arith.constant 0 : i32
    %c0_i32_1 = arith.constant 0 : i32
    %c0_i32_2 = arith.constant 0 : i32
    return %c0_i32, %c0_i32_0, %c0_i32_1 : i32, i32, i32
  }
  func.func @transform_5(%arg0: i32) -> (i32, i32) {
    %c0_i32 = arith.constant 0 : i32
    %c0_i32_0 = arith.constant 0 : i32
    %c0_i32_1 = arith.constant 0 : i32
    return %c0_i32, %c0_i32_0 : i32, i32
  }
  func.func @transform_6(%arg0: i32) -> (i32, i32) {
    %c0_i32 = arith.constant 0 : i32
    %c0_i32_0 = arith.constant 0 : i32
    %c0_i32_1 = arith.constant 0 : i32
    return %c0_i32, %c0_i32_0 : i32, i32
  }
  func.func @transform_7(%arg0: i32) -> (i32, i32) {
    %c0_i32 = arith.constant 0 : i32
    %c0_i32_0 = arith.constant 0 : i32
    return %c0_i32, %arg0 : i32, i32
  }
  func.func @transform_8(%arg0: i32) -> (i32, i32) {
    %c0_i32 = arith.constant 0 : i32
    %c0_i32_0 = arith.constant 0 : i32
    %c0_i32_1 = arith.constant 0 : i32
    return %c0_i32, %c0_i32_0 : i32, i32
  }
}

</mosaic_0001>

<sc_bundles>
// kernel: kernel.4.cloned.1.call-start
scs
__scs_entry_jumppad:
0x0: {  	(pc) =	sbr.rel $0x88, $3  }
0x1: {  	(tag) =	ssettag $0x0;
	lr =	simm.s32 $0x1  }
0x2: {  	[smem:$0x3F9B] =	sst lr;
	_ =	strace $0xD0000000  }
0x3: {  	_ = 	snop  }
0x4: {  	_ = 	snop  }
0x5: {  	_ = 	snop  }
0x6: {  	_ = 	snop  }
0x7: {  	_ = 	snop  }
__scs_overlays_trampoline_lowered:
0x8: {  	[smem:$0x3FAA] =	sst s0  }
0x9: {  	[smem:$0x3FAB] =	sst s1  }
0xa: {  	[smem:$0x3FAC] =	sst s2  }
0xb: {  	[smem:$0x3FAD] =	sst s3  }
0xc: {  	[smem:$0x3FAE] =	sst s4  }
0xd: {  	[smem:$0x3FAF] =	sst s5  }
0xe: {  	[smem:$0x3FB0] =	sst s6  }
0xf: {  	[smem:$0x3FB1] =	sst s7  }
0x10: {  	[smem:$0x3FB2] =	sst s8  }
0x11: {  	[smem:$0x3FB3] =	sst s9;
	s0 =	simm.s32 @!p0 $0x0  }
0x12: {  	s1 =	sld [smem:$0x3F99];
	s0 =	simm.s32 @p0 $0x1  }
0x13: {  	[smem:$0x3FB4] =	sst s0;
	s0 =	simm.s32 @!p1 $0x0  }
0x14: {  	s2 =	sld [smem:$0x3F98];
	s0 =	simm.s32 @p1 $0x1  }
0x15: {  	[smem:$0x3FB5] =	sst s0;
	s0 =	simm.s32 @!p2 $0x0  }
0x16: {  	s3 =	sld [smem:$0x3FDB];
	s0 =	simm.s32 @p2 $0x1  }
0x17: {  	s4 =	simm.s32 $0x1BF5;
	[smem:$0x3FB7] =	sst s0  }
0x18: {  	s0 =	sld [smem:$0x3F9A];
	_ =	swait.ge [sflag:s4], $0x0  }
0x19: {  	s7 =	sld [smem:$0x3F9B]  }
0x1a: {  	s8 =	sadd.s32 $0xFFFFE003, lr  }
0x1b: {  	s9 =	sadd.s32 $0xFFFFFEF7, lr;
	s5 =	simm.s32 $0xFFFFFFFF;
	p2 =	slt.u32 s8, $0xFFFFF086  }
0x1c: {  	p1 =	slt.u32 s9, $0xF7A;
	s5 =	simm.s32 @!p2 $0x0  }
0x1d: {  	s5 =	simm.s32 @p1 $0x1;
	p0 =	seq.s32 s7, s2  }
0x1e: {  	s7 =	smul.u32 @!p0 $0xF7A, s2;
	p2 =	seq.s32 @!p0 s5, $0x0  }
0x1f: {  	s9 =	smul.u32 $0xF7A, s1;
	s8 =	simm.s32 @!p0 $0x1BF5;
	p2 =	por !p2, p0  }
0x20: {  	[sflag:s8] =	ssyncset.s32 @!p0 $0xFFFFF086;
	s6 =	sadd.s32 @!p0 s3, s7;
	s7 =	simm.s32 @!p0 $0x108  }
0x21: {  	s3 =	sadd.s32 s3, s9;
	s6 =	sadd.s32 @!p0 $0x88, s6;
	s7 =	simm.s32 @p2 $0x1082  }
0x22: {  	[simem:s7], [sflag:s8] =	dma.local @!p0 [hbm:s6], $0xF7A  }
0x23: {  	s9 =	sor.u32 $0xD0000000, s2;
	s6 =	simm.s32 $0x108;
	_ =	swait.ge @!p0 [sflag:s8], $0x0  }
0x24: {  	s3 =	sadd.s32 $0x88, s3;
	s6 =	simm.s32 @!p1 $0x1082;
	[sflag:s4] =	ssyncset.s32 $0xFFFFF086  }
0x25: {  	[simem:s6], [sflag:s4] =	dma.local [hbm:s3], $0xF7A  }
0x26: {  	[smem:$0x3F9B] =	sst s1;
	(tag) =	ssettag s2;
	_ =	strace s9  }
0x27: {  	s1 =	sld [smem:$0x3FAB]  }
0x28: {  	s2 =	sld [smem:$0x3FAC]  }
0x29: {  	s4 =	sld [smem:$0x3FAE]  }
0x2a: {  	p0 =	seq.s32 s5, $0x0;
	s5 =	sld [smem:$0x3FAF]  }
0x2b: {  	s6 =	sld [smem:$0x3FB0]  }
0x2c: {  	s7 =	sld [smem:$0x3FB1]  }
0x2d: {  	s3 =	simm.s32 $0x108;
	s8 =	sld [smem:$0x3FB2]  }
0x2e: {  	s3 =	simm.s32 @!p0 $0x1082;
	s9 =	sld [smem:$0x3FB3]  }
0x2f: {  	lr =	sadd.s32 s0, s3;
	s0 =	sld [smem:$0x3FAA]  }
0x30: {  	s3 =	sld [smem:$0x3FAD]  }
0x31: {  	[smem:$0x3FB6] =	sst s10  }
0x32: {  	s10 =	sld [smem:$0x3FB4];
	_ =	sdelay $0x3  }
0x33: {  	p0 =	seq.s32 s10, $0x1;
	s10 =	sld [smem:$0x3FB6];
	_ =	sdelay $0x3  }
0x34: {  	[smem:$0x3FB6] =	sst s10  }
0x35: {  	s10 =	sld [smem:$0x3FB5];
	_ =	sdelay $0x3  }
0x36: {  	p1 =	seq.s32 s10, $0x1;
	s10 =	sld [smem:$0x3FB6];
	_ =	sdelay $0x3  }
0x37: {  	[smem:$0x3FB6] =	sst s10  }
0x38: {  	s10 =	sld [smem:$0x3FB7]  }
0x39: {  	_ = 	snop;
	(pc) =	sbr.ind lr, $3  }
0x3a: {  	_ = 	snop  }
0x3b: {  	_ = 	snop  }
0x3c: {  	p2 =	seq.s32 s10, $0x1;
	s10 =	sld [smem:$0x3FB6]  }
0x3d: {  	_ =	shalt  }
0x3e: {  	_ =	shalt  }
0x3f: {  	_ =	shalt  }
0x40: {  	_ =	shalt  }
0x41: {  	_ =	shalt  }
0x42: {  	_ =	shalt  }
0x43: {  	_ =	shalt  }
0x44: {  	_ =	shalt  }
0x45: {  	_ =	shalt  }
0x46: {  	_ =	shalt  }
0x47: {  	_ =	shalt  }
0x48: {  	_ =	shalt  }
0x49: {  	_ =	shalt  }
0x4a: {  	_ =	shalt  }
0x4b: {  	_ =	shalt  }
0x4c: {  	_ =	shalt  }
0x4d: {  	_ =	shalt  }
0x4e: {  	_ =	shalt  }
0x4f: {  	_ =	shalt  }
0x50: {  	_ =	shalt  }
0x51: {  	_ =	shalt  }
0x52: {  	_ =	shalt  }
0x53: {  	_ =	shalt  }
0x54: {  	_ =	shalt  }
0x55: {  	_ =	shalt  }
0x56: {  	_ =	shalt  }
0x57: {  	_ =	shalt  }
0x58: {  	_ =	shalt  }
0x59: {  	_ =	shalt  }
0x5a: {  	_ =	shalt  }
0x5b: {  	_ =	shalt  }
0x5c: {  	_ =	shalt  }
0x5d: {  	_ =	shalt  }
0x5e: {  	_ =	shalt  }
0x5f: {  	_ =	shalt  }
0x60: {  	_ =	shalt  }
0x61: {  	_ =	shalt  }
0x62: {  	_ =	shalt  }
0x63: {  	_ =	shalt  }
0x64: {  	_ =	shalt  }
0x65: {  	_ =	shalt  }
0x66: {  	_ =	shalt  }
0x67: {  	_ =	shalt  }
0x68: {  	_ =	shalt  }
0x69: {  	_ =	shalt  }
0x6a: {  	_ =	shalt  }
0x6b: {  	_ =	shalt  }
0x6c: {  	_ =	shalt  }
0x6d: {  	_ =	shalt  }
0x6e: {  	_ =	shalt  }
0x6f: {  	_ =	shalt  }
0x70: {  	_ =	shalt  }
0x71: {  	_ =	shalt  }
0x72: {  	_ =	shalt  }
0x73: {  	_ =	shalt  }
0x74: {  	_ =	shalt  }
0x75: {  	_ =	shalt  }
0x76: {  	_ =	shalt  }
0x77: {  	_ =	shalt  }
0x78: {  	_ =	shalt  }
0x79: {  	_ =	shalt  }
0x7a: {  	_ =	shalt  }
0x7b: {  	_ =	shalt  }
0x7c: {  	_ =	shalt  }
0x7d: {  	_ =	shalt  }
0x7e: {  	_ =	shalt  }
0x7f: {  	_ =	shalt  }
0x80: {  	_ =	shalt  }
0x81: {  	_ =	shalt  }
0x82: {  	_ =	shalt  }
0x83: {  	_ =	shalt  }
0x84: {  	_ =	shalt  }
0x85: {  	_ =	shalt  }
0x86: {  	_ =	shalt  }
0x87: {  	_ =	shalt  }
.Lfunc_end0:
.L_simem_size_0:
called_computation_lowered:
.L_overlay_start_0:
0x88: {  	s2 =	sld [smem:$0x3FD9]  }
0x89: {  	s3 =	sld [smem:$0x3FFE];
	_ =	sdelay $0x1  }
0x8a: {  	s1 =	srdreg.scid  }
0x8b: {  	s0 =	sand.u32 $0x1, s1  }
0x8c: {  	s17 =	sshll.u32 s0, $0xA;
	s2 =	sadd.s32 s3, s2  }
0x8d: {  	s2 =	sadd.s32 s2, s17  }
0x8e: {  	[smem:$0x3FC2] =	sst s2  }
0x8f: {  	_ = 	snop  }
0x90: {  	s2 =	sld [smem:$0x3FD0];
	(tm) =	ssettm $0x1  }
0x91: {  	s18 =	sld [smem:$0x3FFB];
	_ =	sdelay $0x3  }
0x92: {  	_ =	strace s18  }
0x93: {  	s3 =	sld [smem:$0x3FFC];
	_ =	sdelay $0x3  }
0x94: {  	_ =	strace s3  }
0x95: {  	s3 =	sld [smem:$0x3FFD];
	_ =	sdelay $0x3  }
0x96: {  	_ =	strace s3  }
0x97: {  	_ =	strace $0x8FFFFFFF  }
0x98: {  	s19 =	sld [smem:$0x3FDB];
	_ =	sdelay $0x1  }
0x99: {  	s4 =	simm.s32 $_scs_section_size  }
0x9a: {  	s5 =	simm.s32 $_size__tile_overlayer_lowered;
	s6 =	simm.s32 $_tile_overlayer_lowered  }
0x9b: {  	s22 =	simm.s32 $0x1BFF;
	s21 =	sshll.u32 s6, $0x1;
	s3 =	sadd.s32 s4, s19  }
0x9c: {  	s7 =	simm.s32 $0x0;
	s20 =	sshll.u32 s5, $0x1;
	s5 =	sadd.s32 s21, s3  }
0x9d: {  	[timem:s7], [sflag:s22] =	dma.local [hbm:s5], s20  }
0x9e: {  	_ =	swait.ge [sflag:s22], s20  }
0x9f: {  	s4 =	ssub.s32 $0x0, s20;
	[sflag:s22] =	ssyncset.done $0x0  }
0xa0: {  	[sflag:s22] =	ssyncadd.s32 s4;
	_ =	sdelay $0x1  }
0xa1: {  	s23 =	simm.s32 $0x1B8B  }
0xa2: {  	_ =	swait.ge [sflag:s23], $0x1  }
0xa3: {  	[sflag:s23] =	ssyncset.done $0x0  }
0xa4: {  	s25 =	simm.s32 $0x1B8E;
	s24 =	sld [smem:$0x3FFE];
	[sflag:s23] =	ssyncadd.s32 $0xFFFFFFFF  }
0xa5: {  	s26 =	simm.s32 $execute0_lowered;
	[smem:$0x3FD2] =	sst s25  }
0xa6: {  	s5 =	sshll.u32 s26, $0x1;
	_ =	strace $0x80000046;
	[dreg:$0x1] =	wrdreg $0xFFFFFFFF  }
0xa7: {  	s28 =	simm.s32 $_size_execute0_lowered;
	s3 =	sadd.s32 s3, s5;
	[dreg:$0x0] =	wrdreg $0x0  }
0xa8: {  	s5 =	sshll.u32 s28, $0x1;
	[dreg:$0x2] =	wrdreg s3  }
0xa9: {  	[dreg:$0x3] =	wrdreg s5  }
0xaa: {  	[dreg:$0x4] =	wrdreg $0xC0  }
0xab: {  	_ =	task [dreg:s7], $0x5FFFF  }
0xac: {  	[dreg:$0x1] =	wrdreg $0xFFFFFFFF  }
0xad: {  	[dreg:$0x0] =	wrdreg $0x60  }
0xae: {  	[dreg:$0x2] =	wrdreg s24  }
0xaf: {  	[dreg:$0x3] =	wrdreg s2  }
0xb0: {  	[dreg:$0x4] =	wrdreg $0x9  }
0xb1: {  	_ =	task.clear_ibuf [dreg:s7], $0x5FFFF;
	_ =	strace $0x90000046  }
0xb2: {  	s29 =	simm.s32 $0x9;
	_ =	strace $0x80000048  }
0xb3: {  	_ =	swait.ge [sflag:s29], $0x1  }
0xb4: {  	[sflag:s29] =	ssyncadd.s32 $0xFFFFFFFF  }
0xb5: {  	_ =	strace $0x90000048  }
0xb6: {  	_ =	sfence  }
0xb7: {  	s30 =	sld [smem:$0x0];
	_ =	sdelay $0x2  }
0xb8: {  	s31 =	sshll.u32 s1, $0xD;
	s1 =	sshrl.u32 s1, $0x2  }
0xb9: {  	s3 =	sand.u32 $0x4000, s31;
	s1 =	sadd.s32 s1, s30  }
0xba: {  	s0 =	sor.u32 s3, s0;
	s1 =	sshll.u32 s1, $0x11  }
0xbb: {  	s0 =	sor.u32 s1, s0  }
0xbc: {  	s0 =	sadd.s32 $0x8F2B, s0  }
0xbd: {  	[sflag:s0] =	ssyncadd.remote.s32 $0x1  }
0xbe: {  	_ =	sfence.sel $0xFFFF  }
0xbf: {  	[dreg:$0x0] =	wrdreg $0xFFFFFFFF;
	(pc) =	sbr.abs _section_cstart, $3  }
0xc0: {  	[dreg:$0x1] =	wrdreg $0xFFFFFFFF  }
0xc1: {  	_ =	task.clear_ibuf [dreg:s7], $0x2FFFF;
	_ =	strace $0x9FFFFFFF  }
0xc2: {  	(tm) =	ssettm $0x7FFFFFFF  }
0xc3: {  	_ =	shalt  }
tec
execute0_lowered:
.L_overlay_start_1:
0x0: {  	(tag) =	ssettag $0x1  }
0x1: {  	s0 =	rddreg [dreg:$0x0]  }
0x2: {  	s6 =	rddreg [dreg:$0x1];
	s1 =	srdreg.scid  }
0x3: {  	s2 =	stileid.u32;
	s3 =	simm.s32 $0x0;
	s16 =	simm.s32 $0x80  }
0x4: {  	s17 =	simm.s32 $0x100;
	s18 =	simm.s32 $0x1000;
	s20 =	simm.s32 $0x400  }
0x5: {  	s22 =	simm.s32 $0x600;
	s23 =	simm.s32 $0x800;
	s24 =	simm.s32 $0xA00  }
0x6: {  	s25 =	simm.s32 $0xC00;
	s26 =	simm.s32 $0xE00;
	s28 =	simm.s32 $0x1  }
0x7: {  	s29 =	simm.s32 $0x5000;
	s30 =	simm.s32 $0x5200;
	s1 =	sand.u32 $0x1, s1  }
0x8: {  	s31 =	simm.s32 $0x0;
	s2 =	sshll.u32 s2, $0xA;
	s4 =	sshll.u32 s1, $0x9  }
0x9: {  	[smem:$0x7FF] =	sst s3;
	s1 =	ssub.s32 $0x2, s1;
	s2 =	sor.u32 s4, s2  }
0xa: {  	_ =	strace $0x80000047;
	s5 =	sshrl.u32 s1, $0x1;
	s4 =	sshrl.u32 s2, $0x3  }
0xb: {  	s2 =	sadd.s32 s2, s0;
	s1 =	ssub.s32 s1, s5;
	s0 =	sadd.s32 s4, s0  }
0xc: {  	s4 =	sadd.s32 $0x10, s6;
	s5 =	sadd.s32 $0xE00, s2;
	s6 =	sadd.s32 $0xE10, s2  }
0xd: {  	s7 =	sadd.s32 $0xE20, s2;
	s8 =	sadd.s32 $0xE30, s2;
	s9 =	sadd.s32 $0xE40, s2  }
0xe: {  	s10 =	sadd.s32 $0xE50, s2;
	s11 =	sadd.s32 $0xE60, s2;
	s12 =	sadd.s32 $0xE70, s2  }
0xf: {  	s15 =	smax.u32 s1, $0x1;
	s13 =	sadd.s32 $0x4E00, s0;
	s14 =	sadd.s32 $0x5600, s0  }
.LBB2_1:
0x10: {  	s0 =	rddreg [dreg:$0x1]  }
0x11: {  	[tilespmem:s18], [sflag:$0x1] =	stream.strided.gather [hbm4b:s0+s16], $0x2000, s17, s16, $0x38;
	[tilespmem:$0x5400] =	vst v63  }
0x12: {  	s2 =	simm.s32 $0x3000  }
0x13: {  	[tilespmem:s2], [sflag:$0x1] =	stream.strided.gather [hbm4b:s4+s16], $0x2000, s17, s16, $0x38;
	[tilespmem:$0x5400] =	vst v63  }
0x14: {  	_ = 	snop  }
0x15: {  	[tilespmem:s3], [sflag:$0x1] =	stream.strided.gather [hbm4b:s5+s16], $0x200, s20, s16, $0x38;
	[tilespmem:$0x5400] =	vst v63  }
0x16: {  	s19 =	simm.s32 $0x200  }
0x17: {  	[tilespmem:s19], [sflag:$0x1] =	stream.strided.gather [hbm4b:s6+s16], $0x200, s20, s16, $0x38;
	[tilespmem:$0x5400] =	vst v63  }
0x18: {  	_ = 	snop  }
0x19: {  	[tilespmem:s20], [sflag:$0x1] =	stream.strided.gather [hbm4b:s7+s16], $0x200, s20, s16, $0x38;
	[tilespmem:$0x5400] =	vst v63  }
0x1a: {  	_ = 	snop  }
0x1b: {  	[tilespmem:s22], [sflag:$0x1] =	stream.strided.gather [hbm4b:s8+s16], $0x200, s20, s16, $0x38;
	[tilespmem:$0x5400] =	vst v63  }
0x1c: {  	_ = 	snop  }
0x1d: {  	[tilespmem:s23], [sflag:$0x1] =	stream.strided.gather [hbm4b:s9+s16], $0x200, s20, s16, $0x38;
	[tilespmem:$0x5400] =	vst v63  }
0x1e: {  	_ = 	snop  }
0x1f: {  	[tilespmem:s24], [sflag:$0x1] =	stream.strided.gather [hbm4b:s10+s16], $0x200, s20, s16, $0x38;
	[tilespmem:$0x5400] =	vst v63  }
0x20: {  	_ = 	snop  }
0x21: {  	[tilespmem:s25], [sflag:$0x1] =	stream.strided.gather [hbm4b:s11+s16], $0x200, s20, s16, $0x38;
	[tilespmem:$0x5400] =	vst v63  }
0x22: {  	_ = 	snop  }
0x23: {  	[tilespmem:s26], [sflag:$0x1] =	stream.strided.gather [hbm4b:s12+s16], $0x200, s20, s16, $0x38;
	[tilespmem:$0x5400] =	vst v63  }
0x24: {  	_ =	swait.ge [sflag:s28], $0x2000  }
0x25: {  	[sflag:s28] =	ssyncset.done $0x0  }
0x26: {  	[sflag:s28] =	ssyncadd.s32 $0xFFFFE000  }
0x27: {  	_ =	swait.ge [sflag:s28], $0x2000  }
0x28: {  	[sflag:s28] =	ssyncset.done $0x0  }
0x29: {  	[sflag:s28] =	ssyncadd.s32 $0xFFFFE000  }
0x2a: {  	_ =	swait.ge [sflag:s28], $0x200  }
0x2b: {  	[sflag:s28] =	ssyncset.done $0x0  }
0x2c: {  	[sflag:s28] =	ssyncadd.s32 $0xFFFFFE00  }
0x2d: {  	_ =	swait.ge [sflag:s28], $0x200  }
0x2e: {  	[sflag:s28] =	ssyncset.done $0x0  }
0x2f: {  	[sflag:s28] =	ssyncadd.s32 $0xFFFFFE00  }
0x30: {  	_ =	swait.ge [sflag:s28], $0x200  }
0x31: {  	[sflag:s28] =	ssyncset.done $0x0  }
0x32: {  	[sflag:s28] =	ssyncadd.s32 $0xFFFFFE00  }
0x33: {  	_ =	swait.ge [sflag:s28], $0x200  }
0x34: {  	[sflag:s28] =	ssyncset.done $0x0  }
0x35: {  	[sflag:s28] =	ssyncadd.s32 $0xFFFFFE00  }
0x36: {  	_ =	swait.ge [sflag:s28], $0x200  }
0x37: {  	[sflag:s28] =	ssyncset.done $0x0  }
0x38: {  	[sflag:s28] =	ssyncadd.s32 $0xFFFFFE00  }
0x39: {  	_ =	swait.ge [sflag:s28], $0x200  }
0x3a: {  	[sflag:s28] =	ssyncset.done $0x0  }
0x3b: {  	[sflag:s28] =	ssyncadd.s32 $0xFFFFFE00  }
0x3c: {  	_ =	swait.ge [sflag:s28], $0x200  }
0x3d: {  	[sflag:s28] =	ssyncset.done $0x0  }
0x3e: {  	[sflag:s28] =	ssyncadd.s32 $0xFFFFFE00  }
0x3f: {  	_ =	swait.ge [sflag:s28], $0x200  }
0x40: {  	[sflag:s28] =	ssyncset.done $0x0  }
0x41: {  	[sflag:s28] =	ssyncadd.s32 $0xFFFFFE00  }
0x42: {  	v0 =	vld [tilespmem:s3+$0x0]  }
0x43: {  	s21 =	sand.u32 $0x1F0, s3  }
0x44: {  	v1 =	vld [tilespmem:s21+$0x200]  }
0x45: {  	v2 =	vld [tilespmem:s21+$0xE00]  }
0x46: {  	v3 =	vld [tilespmem:s21+$0x400]  }
0x47: {  	v5 =	vld [tilespmem:s21+$0xC00];
	v4 =	vadd.s32 $0x2000, v0  }
0x48: {  	v6 =	vld [tilespmem:s21+$0x600]  }
0x49: {  	v8 =	vld [tilespmem:s21+$0xA00];
	v7 =	vadd.s32 $0x2000, v1  }
0x4a: {  	v9 =	vld [tilespmem:s21+$0x800]  }
0x4b: {  	v10 =	vadd.s32 $0x2000, v3;
	v0 =	vld.idx.msk [tilespmem:v0+s18+$0x0], $0xffff  }
0x4c: {  	v4 =	vld.idx.msk [tilespmem:v4+s18+$0x0], $0xffff  }
0x4d: {  	v11 =	vadd.s32 $0x2000, v6;
	v1 =	vld.idx.msk [tilespmem:v1+s18+$0x0], $0xffff  }
0x4e: {  	v7 =	vld.idx.msk [tilespmem:v7+s18+$0x0], $0xffff  }
0x4f: {  	v12 =	vadd.s32 $0x2000, v9;
	v3 =	vld.idx.msk [tilespmem:v3+s18+$0x0], $0xffff  }
0x50: {  	v10 =	vld.idx.msk [tilespmem:v10+s18+$0x0], $0xffff;
	v0 =	vadd.f32 $0.0e+00, v0  }
0x51: {  	v13 =	vadd.s32 $0x2000, v8;
	v6 =	vld.idx.msk [tilespmem:v6+s18+$0x0], $0xffff;
	v4 =	vadd.f32 $0.0e+00, v4  }
0x52: {  	v11 =	vld.idx.msk [tilespmem:v11+s18+$0x0], $0xffff;
	v0 =	vadd.f32 v1, v0  }
0x53: {  	v9 =	vld.idx.msk [tilespmem:v9+s18+$0x0], $0xffff;
	v1 =	vadd.s32 $0x2000, v5;
	v4 =	vadd.f32 v7, v4  }
0x54: {  	v61 =	vld.idx.msk [tilespmem:v12+s18+$0x0], $0xffff;
	v0 =	vadd.f32 v3, v0  }
0x55: {  	v62 =	vadd.s32 $0x2000, v2;
	v3 =	vld.idx.msk [tilespmem:v8+s18+$0x0], $0xffff;
	v4 =	vadd.f32 v10, v4  }
0x56: {  	v63 =	vld.idx.msk [tilespmem:v13+s18+$0x0], $0xffff;
	v0 =	vadd.f32 v6, v0  }
0x57: {  	v5 =	vld.idx.msk [tilespmem:v5+s18+$0x0], $0xffff;
	v4 =	vadd.f32 v11, v4  }
0x58: {  	v1 =	vld.idx.msk [tilespmem:v1+s18+$0x0], $0xffff;
	v0 =	vadd.f32 v9, v0  }
0x59: {  	v2 =	vld.idx.msk [tilespmem:v2+s18+$0x0], $0xffff;
	v4 =	vadd.f32 v61, v4  }
0x5a: {  	v0 =	vadd.f32 v3, v0;
	v3 =	vld.idx.msk [tilespmem:v62+s18+$0x0], $0xffff  }
0x5b: {  	v4 =	vadd.f32 v63, v4  }
0x5c: {  	v0 =	vadd.f32 v5, v0  }
0x5d: {  	v1 =	vadd.f32 v1, v4  }
0x5e: {  	v2 =	vadd.f32 v2, v0  }
0x5f: {  	s1 =	simm.s32 $0x5200;
	v0 =	vadd.f32 v3, v1  }
0x60: {  	s0 =	simm.s32 $0x10;
	s2 =	simm.s32 $0x0;
	s19 =	simm.s32 $0x5000;
	[tilespmem:s29+$0x0] =	vst v2  }
.LBB2_2:
0x61: {  	[tilespmem:s1+$0x0] =	vst v0;
	s2 =	sadd.s32 $0x10, s2;
	s19 =	sadd.s32 $0x10, s19;
	s1 =	sadd.s32 $0x10, s1  }
0x62: {  	p0 =	sne.s32 s0, $0x1F0;
	s21 =	smov.u32 s0;
	s0 =	sadd.s32 $0x10, s0;
	v0 =	vld [tilespmem:s2+$0x0]  }
0x63: {  	s21 =	sand.u32 $0x1F0, s21  }
0x64: {  	v1 =	vld [tilespmem:s21+$0x200]  }
0x65: {  	v2 =	vld [tilespmem:s21+$0xE00]  }
0x66: {  	v3 =	vld [tilespmem:s21+$0x400]  }
0x67: {  	v4 =	vadd.s32 $0x2000, v0;
	v5 =	vld [tilespmem:s21+$0xC00]  }
0x68: {  	v6 =	vld [tilespmem:s21+$0x600]  }
0x69: {  	v7 =	vadd.s32 $0x2000, v1;
	v8 =	vld [tilespmem:s21+$0xA00]  }
0x6a: {  	v9 =	vld [tilespmem:s21+$0x800];
	v10 =	vadd.s32 $0x2000, v2  }
0x6b: {  	v0 =	vld.idx.msk [tilespmem:v0+s18+$0x0], $0xffff;
	v11 =	vadd.s32 $0x2000, v3  }
0x6c: {  	v4 =	vld.idx.msk [tilespmem:v4+s18+$0x0], $0xffff;
	v12 =	vadd.s32 $0x2000, v5  }
0x6d: {  	v1 =	vld.idx.msk [tilespmem:v1+s18+$0x0], $0xffff;
	v13 =	vadd.s32 $0x2000, v6  }
0x6e: {  	v7 =	vld.idx.msk [tilespmem:v7+s18+$0x0], $0xffff;
	v14 =	vadd.s32 $0x2000, v8  }
0x6f: {  	v3 =	vld.idx.msk [tilespmem:v3+s18+$0x0], $0xffff;
	v15 =	vadd.s32 $0x2000, v9  }
0x70: {  	v11 =	vld.idx.msk [tilespmem:v11+s18+$0x0], $0xffff  }
0x71: {  	v0 =	vadd.f32 $0.0e+00, v0;
	v6 =	vld.idx.msk [tilespmem:v6+s18+$0x0], $0xffff  }
0x72: {  	v4 =	vadd.f32 $0.0e+00, v4;
	v13 =	vld.idx.msk [tilespmem:v13+s18+$0x0], $0xffff  }
0x73: {  	v0 =	vadd.f32 v1, v0;
	v1 =	vld.idx.msk [tilespmem:v9+s18+$0x0], $0xffff  }
0x74: {  	v4 =	vadd.f32 v7, v4;
	v7 =	vld.idx.msk [tilespmem:v15+s18+$0x0], $0xffff  }
0x75: {  	v0 =	vadd.f32 v3, v0;
	v3 =	vld.idx.msk [tilespmem:v8+s18+$0x0], $0xffff  }
0x76: {  	v4 =	vadd.f32 v11, v4;
	v8 =	vld.idx.msk [tilespmem:v14+s18+$0x0], $0xffff  }
0x77: {  	v0 =	vadd.f32 v6, v0;
	v5 =	vld.idx.msk [tilespmem:v5+s18+$0x0], $0xffff  }
0x78: {  	v4 =	vadd.f32 v13, v4;
	v6 =	vld.idx.msk [tilespmem:v12+s18+$0x0], $0xffff  }
0x79: {  	v0 =	vadd.f32 v1, v0;
	v1 =	vld.idx.msk [tilespmem:v2+s18+$0x0], $0xffff  }
0x7a: {  	v2 =	vadd.f32 v7, v4;
	v4 =	vld.idx.msk [tilespmem:v10+s18+$0x0], $0xffff  }
0x7b: {  	v0 =	vadd.f32 v3, v0  }
0x7c: {  	v2 =	vadd.f32 v8, v2  }
.Ltmp0:
0x7d: {  	v0 =	vadd.f32 v5, v0;
	(pc) =	sbr.rel @p0 .LBB2_2-.Ltmp0, $4  }
0x7e: {  	v2 =	vadd.f32 v6, v2  }
0x7f: {  	v1 =	vadd.f32 v1, v0  }
0x80: {  	v0 =	vadd.f32 v4, v2  }
0x81: {  	[tilespmem:s19+$0x0] =	vst v1  }
0x82: {  	[tilespmem:s1+$0x0] =	vst v0  }
0x83: {  	[hbm4b:s13+s3] =	stream.linear.scatter [tilespmem:s29], [sflag:$0x1], $0x200, $0x38;
	[tilespmem:$0x5400] =	vst v63  }
0x84: {  	s31 =	sadd.s32 $0x1, s31  }
0x85: {  	[hbm4b:s14+s3] =	stream.linear.scatter [tilespmem:s30], [sflag:$0x1], $0x200, $0x38;
	[tilespmem:$0x5400] =	vst v63  }
0x86: {  	p0 =	sne.s32 s31, s15;
	_ =	swait.ge [sflag:s28], $0x200  }
.Ltmp1:
0x87: {  	[sflag:s28] =	ssyncset.done $0x0;
	(pc) =	sbr.rel @p0 .LBB2_1-.Ltmp1, $4  }
0x88: {  	[sflag:s28] =	ssyncadd.s32 $0xFFFFFE00  }
0x89: {  	_ =	swait.ge [sflag:s28], $0x200  }
0x8a: {  	[sflag:s28] =	ssyncset.done $0x0  }
0x8b: {  	[sflag:s28] =	ssyncadd.s32 $0xFFFFFE00  }
0x8c: {  	_ =	sfence.sel $0x180000  }
0x8d: {  	[bflag:$0x0] =	sbarrier.arrive $0xFFFF  }
0x8e: {  	_ =	strace $0x90000047  }
0x8f: {  	s0 =	stileid.u32;
	[bflag:$0x2] =	sbarrier.arrive $0xFFFF  }
0x90: {  	p0 =	sne.s32 s0, $0x0;
	s0 =	rddreg [dreg:$0x2]  }
0x91: {  	s0 =	sadd.s32 @!p0 $0x100000, s0  }
0x92: {  	[sflag:s0] =	ssyncadd.tile.s32 @!p0 $0x1;
	_ =	shalt  }
.Lfunc_end2:
_tile_overlayer_lowered:
.L_overlay_start_2:
0x93: {  	(tag) =	ssettag $0x2  }
0x94: {  	s0 =	rddreg [dreg:$0x0];
	s2 =	stileid.u32  }
0x95: {  	s1 =	rddreg [dreg:$0x1];
	p0 =	sne.s32 s2, $0x0  }
0x96: {  	s3 =	rddreg [dreg:$0x2];
	[bflag:$0x3] =	sbarrier.arrive $0xFFFF;
	s2 =	simm.s32 @!p0 $0x1C02  }
0x97: {  	[timem:s3], [sflag:s2] =	dma.local @!p0 [hbm:s0], s1  }
0x98: {  	s0 =	simm.s32 @!p0 $0x2  }
0x99: {  	_ =	swait.ge @!p0 [sflag:s0], s1  }
0x9a: {  	s1 =	ssub.s32 @!p0 $0x0, s1;
	[sflag:s0] =	ssyncset.done @!p0 $0x0  }
0x9b: {  	[sflag:s0] =	ssyncadd.s32 @!p0 s1  }
0x9c: {  	[bflag:$0x3] =	sbarrier.arrive $0xFFFF  }
0x9d: {  	_ =	shalt  }

</sc_bundles>
